<compile_context>
chip_gen: v7x
topology: tpu7x:2x2x1
jax: 0.10.2.dev20260603
libtpu: 0.0.44.dev20260713+nightly
codegen_flags: <defaults>
</compile_context>

<pallas_src>
import functools

import jax
import jax.numpy as jnp
from jax import lax
from jax.experimental import pallas as pl
from jax.experimental.pallas import tpu as pltpu
from jax.experimental.pallas import tpu_sc as plsc

F = 26
V = 100000
D = 64
B = 16384

NC = 2
NS = 16
NW = NC * NS
TILE = 128
ROWS = (F * B) // TILE
NT = ROWS // NW
NB = 8


@functools.partial(
    pl.kernel,
    out_type=jax.ShapeDtypeStruct((F, B, D), jnp.float32),
    mesh=plsc.VectorSubcoreMesh(core_axis_name="c", subcore_axis_name="s"),
    compiler_params=pltpu.CompilerParams(use_tc_tiling_on_sc=False),
    scratch_types=(
        [pltpu.VMEM((NT, TILE), jnp.int32)]
        + [pltpu.VMEM((TILE, D), jnp.float32) for _ in range(NB)]
        + [pltpu.SemaphoreType.DMA for _ in range(2 * NB)]
    ),
)
def _emb_lookup(table_hbm, idx_hbm, out_hbm, idx_v, *rest):
    bufs = rest[:NB]
    gsems = rest[NB:2 * NB]
    osems = rest[2 * NB:3 * NB]

    wid = lax.axis_index("s") * NC + lax.axis_index("c")
    row0 = wid * NT

    pltpu.sync_copy(idx_hbm.at[pl.ds(row0, NT)], idx_v)

    def g_start(t, b):
        f = (row0 + t) >> 7
        src = table_hbm.at[f].at[idx_v.at[t]]
        pltpu.async_copy(src, bufs[b], gsems[b])

    def g_wait(t, b):
        f = (row0 + t) >> 7
        src = table_hbm.at[f].at[idx_v.at[t]]
        pltpu.make_async_copy(src, bufs[b], gsems[b]).wait()

    def _dst(t):
        g = row0 + t
        return out_hbm.at[g >> 7].at[pl.ds((g & 127) * TILE, TILE)]

    def o_start(t, b):
        pltpu.async_copy(bufs[b], _dst(t), osems[b])

    def o_wait(t, b):
        pltpu.make_async_copy(bufs[b], _dst(t), osems[b]).wait()

    for b in range(NB):
        g_start(b, b)

    def outer(k, carry):
        g = k * NB
        for b in range(NB):
            t = g + b
            g_wait(t, b)
            o_start(t, b)
            o_wait(t, b)
            nxt = t + NB

            @pl.when(nxt < NT)
            def _():
                g_start(nxt, b)
        return carry

    lax.fori_loop(0, NT // NB, outer, 0)


def kernel(x, tables):
    xt = x.astype(jnp.int32).T.reshape(ROWS, TILE)
    return _emb_lookup(tables, xt)

# --- scband reference (transcript-rebuilt; emitter-appended) ---
"""Pipeline reference for scband-extendable-embedding-list-70489003262000 (READ-ONLY COPY).

The authoritative reference and input builder live on the scoring server;
editing this copy changes nothing except your own understanding.
"""

import jax, jax.numpy as jnp
import numpy as np

NUM_FIELDS = 26
VOCAB = 100000
EMBED_DIM = 64
BATCH = 16384


def setup_inputs(seed: int = 0) -> dict:
    key = jax.random.key(seed)
    k_idx, k_tab = jax.random.split(key)
    x = jax.random.randint(k_idx, (BATCH, NUM_FIELDS), 0, VOCAB, dtype=jnp.int64 if jax.config.jax_enable_x64 else jnp.int32)
    # one table per field, all same shape -> stack into [F, V, D]
    tables = jax.random.normal(k_tab, (NUM_FIELDS, VOCAB, EMBED_DIM), dtype=jnp.float32)
    return {"x": x, "tables": tables}


def reference(x, tables):
    # ExtendableEmbeddingList.forward with subset=None:
    # cat([emb_i(x[:, i]).unsqueeze(0) for i, emb_i in enumerate(tables)], dim=0)
    # -> output shape [F, B, D]
    def lookup(table, idx_col):
        return jnp.take(table, idx_col, axis=0)
    out = jax.vmap(lookup, in_axes=(0, 1))(tables, x)
    return out

if __name__ == "__main__":
    import jax
    _d = setup_inputs()
    print(jax.jit(kernel)(*tuple(_d.values())))

</pallas_src>

<mosaic_0001>
#map = affine_map<(d0, d1) -> (0, 0, 0)>
#map1 = affine_map<(d0, d1) -> (0, 0)>
module attributes {stable_mosaic.version = 14 : i64} {
  func.func @_emb_lookup(%arg0: i32, %arg1: i32, %arg2: memref<26x100000x64xf32, #tpu.memory_space<hbm>>, %arg3: memref<3328x128xi32, #tpu.memory_space<hbm>>, %arg4: memref<26x16384x64xf32, #tpu.memory_space<hbm>>, %arg5: memref<104x128xi32, #tpu.memory_space<vmem>>, %arg6: memref<128x64xf32, #tpu.memory_space<vmem>>, %arg7: memref<128x64xf32, #tpu.memory_space<vmem>>, %arg8: memref<128x64xf32, #tpu.memory_space<vmem>>, %arg9: memref<128x64xf32, #tpu.memory_space<vmem>>, %arg10: memref<128x64xf32, #tpu.memory_space<vmem>>, %arg11: memref<128x64xf32, #tpu.memory_space<vmem>>, %arg12: memref<128x64xf32, #tpu.memory_space<vmem>>, %arg13: memref<128x64xf32, #tpu.memory_space<vmem>>, %arg14: memref<!tpu.dma_semaphore, #tpu.memory_space<semaphore_mem>>, %arg15: memref<!tpu.dma_semaphore, #tpu.memory_space<semaphore_mem>>, %arg16: memref<!tpu.dma_semaphore, #tpu.memory_space<semaphore_mem>>, %arg17: memref<!tpu.dma_semaphore, #tpu.memory_space<semaphore_mem>>, %arg18: memref<!tpu.dma_semaphore, #tpu.memory_space<semaphore_mem>>, %arg19: memref<!tpu.dma_semaphore, #tpu.memory_space<semaphore_mem>>, %arg20: memref<!tpu.dma_semaphore, #tpu.memory_space<semaphore_mem>>, %arg21: memref<!tpu.dma_semaphore, #tpu.memory_space<semaphore_mem>>, %arg22: memref<!tpu.dma_semaphore, #tpu.memory_space<semaphore_mem>>, %arg23: memref<!tpu.dma_semaphore, #tpu.memory_space<semaphore_mem>>, %arg24: memref<!tpu.dma_semaphore, #tpu.memory_space<semaphore_mem>>, %arg25: memref<!tpu.dma_semaphore, #tpu.memory_space<semaphore_mem>>, %arg26: memref<!tpu.dma_semaphore, #tpu.memory_space<semaphore_mem>>, %arg27: memref<!tpu.dma_semaphore, #tpu.memory_space<semaphore_mem>>, %arg28: memref<!tpu.dma_semaphore, #tpu.memory_space<semaphore_mem>>, %arg29: memref<!tpu.dma_semaphore, #tpu.memory_space<semaphore_mem>>) attributes {dimension_semantics = [#tpu.dimension_semantics<core_parallel>, #tpu.dimension_semantics<subcore_parallel>], iteration_bounds = array<i64: 2, 16>, scalar_prefetch = 0 : i64, scratch_operands = 25 : i64, tpu.core_type = #tpu.core_type<sc_vector_subcore>, window_params = [{transform_indices = #map}, {transform_indices = #map1}, {transform_indices = #map}]} {
    %mul3A = arith.constant 2 : i32
    %mul3A_0 = arith.muli %arg1, %mul3A : i32
    %add3A = arith.addi %mul3A_0, %arg0 : i32
    %mul3A_1 = arith.constant 104 : i32
    %mul3A_2 = arith.muli %add3A, %mul3A_1 : i32
    "tpu.region"() ({
      %run_scoped3A = tpu.sem_alloc : memref<!tpu.dma_semaphore, #tpu.memory_space<semaphore_mem>>
      %dma_start3A_126 = arith.constant 0 : i32
      %dma_start3A_127 = tpu.memref_slice %arg3[%mul3A_2, %dma_start3A_126] : memref<3328x128xi32, #tpu.memory_space<hbm>> -> memref<104x128xi32, #tpu.memory_space<hbm>>
      %dma_start3A_128 = arith.constant 0 : i32
      %dma_start3A_129 = tpu.memref_slice %arg3[%mul3A_2, %dma_start3A_128] : memref<3328x128xi32, #tpu.memory_space<hbm>> -> memref<104x128xi32, #tpu.memory_space<hbm>>
      tpu.enqueue_dma source(%dma_start3A_129 : memref<104x128xi32, #tpu.memory_space<hbm>>) target(%arg5 : memref<104x128xi32, #tpu.memory_space<vmem>>) target_semaphore(%run_scoped3A : memref<!tpu.dma_semaphore, #tpu.memory_space<semaphore_mem>>)
      %dma_wait3A = arith.constant 0 : i32
      %dma_wait3A_130 = tpu.memref_slice %arg3[%mul3A_2, %dma_wait3A] : memref<3328x128xi32, #tpu.memory_space<hbm>> -> memref<104x128xi32, #tpu.memory_space<hbm>>
      %dma_wait3A_131 = arith.constant 0 : i32
      %dma_wait3A_132 = tpu.memref_slice %arg3[%mul3A_2, %dma_wait3A_131] : memref<3328x128xi32, #tpu.memory_space<hbm>> -> memref<104x128xi32, #tpu.memory_space<hbm>>
      tpu.wait_dma2 semaphore(%run_scoped3A : memref<!tpu.dma_semaphore, #tpu.memory_space<semaphore_mem>>) src(%dma_wait3A_132 : memref<104x128xi32, #tpu.memory_space<hbm>>) dst(%arg5 : memref<104x128xi32, #tpu.memory_space<vmem>>)
      tpu.yield
    }) : () -> ()
    %add3A_3 = arith.constant 0 : i32
    %add3A_4 = arith.addi %mul3A_2, %add3A_3 : i32
    %shift_right_arithmetic3A = arith.constant 7 : i32
    %shift_right_arithmetic3A_5 = arith.shrsi %add3A_4, %shift_right_arithmetic3A : i32
    %dma_start3A = arith.constant 0 : i32
    %dma_start3A_6 = arith.constant 0 : i32
    %dma_start3A_7 = tpu.memref_slice %arg5[%dma_start3A, %dma_start3A_6] : memref<104x128xi32, #tpu.memory_space<vmem>> -> memref<1x128xi32, #tpu.memory_space<vmem>>
    %dma_start3A_8 = tpu.memref_squeeze %dma_start3A_7 : memref<1x128xi32, #tpu.memory_space<vmem>> -> memref<128xi32, #tpu.memory_space<vmem>>
    %dma_start3A_9 = arith.constant 0 : i32
    %dma_start3A_10 = arith.constant 0 : i32
    %dma_start3A_11 = tpu.memref_slice %arg2[%shift_right_arithmetic3A_5, %dma_start3A_9, %dma_start3A_10] : memref<26x100000x64xf32, #tpu.memory_space<hbm>> -> memref<1x100000x64xf32, #tpu.memory_space<hbm>>
    %dma_start3A_12 = tpu.memref_squeeze %dma_start3A_11 : memref<1x100000x64xf32, #tpu.memory_space<hbm>> -> memref<100000x64xf32, #tpu.memory_space<hbm>>
    %dma_start3A_13 = arith.constant 0 : i32
    %dma_start3A_14 = arith.constant 0 : i32
    %dma_start3A_15 = tpu.memref_slice %dma_start3A_12[%dma_start3A_13, %dma_start3A_14] : memref<100000x64xf32, #tpu.memory_space<hbm>> -> memref<100000x64xf32, #tpu.memory_space<hbm>>
    tpu.enqueue_indirect_dma source(%dma_start3A_15 : memref<100000x64xf32, #tpu.memory_space<hbm>>) target(%arg6 : memref<128x64xf32, #tpu.memory_space<vmem>>) offsets(%dma_start3A_8 : memref<128xi32, #tpu.memory_space<vmem>>) semaphore(%arg14 : memref<!tpu.dma_semaphore, #tpu.memory_space<semaphore_mem>>)
    %add3A_16 = arith.constant 1 : i32
    %add3A_17 = arith.addi %mul3A_2, %add3A_16 : i32
    %shift_right_arithmetic3A_18 = arith.constant 7 : i32
    %shift_right_arithmetic3A_19 = arith.shrsi %add3A_17, %shift_right_arithmetic3A_18 : i32
    %dma_start3A_20 = arith.constant 1 : i32
    %dma_start3A_21 = arith.constant 0 : i32
    %dma_start3A_22 = tpu.memref_slice %arg5[%dma_start3A_20, %dma_start3A_21] : memref<104x128xi32, #tpu.memory_space<vmem>> -> memref<1x128xi32, #tpu.memory_space<vmem>>
    %dma_start3A_23 = tpu.memref_squeeze %dma_start3A_22 : memref<1x128xi32, #tpu.memory_space<vmem>> -> memref<128xi32, #tpu.memory_space<vmem>>
    %dma_start3A_24 = arith.constant 0 : i32
    %dma_start3A_25 = arith.constant 0 : i32
    %dma_start3A_26 = tpu.memref_slice %arg2[%shift_right_arithmetic3A_19, %dma_start3A_24, %dma_start3A_25] : memref<26x100000x64xf32, #tpu.memory_space<hbm>> -> memref<1x100000x64xf32, #tpu.memory_space<hbm>>
    %dma_start3A_27 = tpu.memref_squeeze %dma_start3A_26 : memref<1x100000x64xf32, #tpu.memory_space<hbm>> -> memref<100000x64xf32, #tpu.memory_space<hbm>>
    %dma_start3A_28 = arith.constant 0 : i32
    %dma_start3A_29 = arith.constant 0 : i32
    %dma_start3A_30 = tpu.memref_slice %dma_start3A_27[%dma_start3A_28, %dma_start3A_29] : memref<100000x64xf32, #tpu.memory_space<hbm>> -> memref<100000x64xf32, #tpu.memory_space<hbm>>
    tpu.enqueue_indirect_dma source(%dma_start3A_30 : memref<100000x64xf32, #tpu.memory_space<hbm>>) target(%arg7 : memref<128x64xf32, #tpu.memory_space<vmem>>) offsets(%dma_start3A_23 : memref<128xi32, #tpu.memory_space<vmem>>) semaphore(%arg15 : memref<!tpu.dma_semaphore, #tpu.memory_space<semaphore_mem>>)
    %add3A_31 = arith.constant 2 : i32
    %add3A_32 = arith.addi %mul3A_2, %add3A_31 : i32
    %shift_right_arithmetic3A_33 = arith.constant 7 : i32
    %shift_right_arithmetic3A_34 = arith.shrsi %add3A_32, %shift_right_arithmetic3A_33 : i32
    %dma_start3A_35 = arith.constant 2 : i32
    %dma_start3A_36 = arith.constant 0 : i32
    %dma_start3A_37 = tpu.memref_slice %arg5[%dma_start3A_35, %dma_start3A_36] : memref<104x128xi32, #tpu.memory_space<vmem>> -> memref<1x128xi32, #tpu.memory_space<vmem>>
    %dma_start3A_38 = tpu.memref_squeeze %dma_start3A_37 : memref<1x128xi32, #tpu.memory_space<vmem>> -> memref<128xi32, #tpu.memory_space<vmem>>
    %dma_start3A_39 = arith.constant 0 : i32
    %dma_start3A_40 = arith.constant 0 : i32
    %dma_start3A_41 = tpu.memref_slice %arg2[%shift_right_arithmetic3A_34, %dma_start3A_39, %dma_start3A_40] : memref<26x100000x64xf32, #tpu.memory_space<hbm>> -> memref<1x100000x64xf32, #tpu.memory_space<hbm>>
    %dma_start3A_42 = tpu.memref_squeeze %dma_start3A_41 : memref<1x100000x64xf32, #tpu.memory_space<hbm>> -> memref<100000x64xf32, #tpu.memory_space<hbm>>
    %dma_start3A_43 = arith.constant 0 : i32
    %dma_start3A_44 = arith.constant 0 : i32
    %dma_start3A_45 = tpu.memref_slice %dma_start3A_42[%dma_start3A_43, %dma_start3A_44] : memref<100000x64xf32, #tpu.memory_space<hbm>> -> memref<100000x64xf32, #tpu.memory_space<hbm>>
    tpu.enqueue_indirect_dma source(%dma_start3A_45 : memref<100000x64xf32, #tpu.memory_space<hbm>>) target(%arg8 : memref<128x64xf32, #tpu.memory_space<vmem>>) offsets(%dma_start3A_38 : memref<128xi32, #tpu.memory_space<vmem>>) semaphore(%arg16 : memref<!tpu.dma_semaphore, #tpu.memory_space<semaphore_mem>>)
    %add3A_46 = arith.constant 3 : i32
    %add3A_47 = arith.addi %mul3A_2, %add3A_46 : i32
    %shift_right_arithmetic3A_48 = arith.constant 7 : i32
    %shift_right_arithmetic3A_49 = arith.shrsi %add3A_47, %shift_right_arithmetic3A_48 : i32
    %dma_start3A_50 = arith.constant 3 : i32
    %dma_start3A_51 = arith.constant 0 : i32
    %dma_start3A_52 = tpu.memref_slice %arg5[%dma_start3A_50, %dma_start3A_51] : memref<104x128xi32, #tpu.memory_space<vmem>> -> memref<1x128xi32, #tpu.memory_space<vmem>>
    %dma_start3A_53 = tpu.memref_squeeze %dma_start3A_52 : memref<1x128xi32, #tpu.memory_space<vmem>> -> memref<128xi32, #tpu.memory_space<vmem>>
    %dma_start3A_54 = arith.constant 0 : i32
    %dma_start3A_55 = arith.constant 0 : i32
    %dma_start3A_56 = tpu.memref_slice %arg2[%shift_right_arithmetic3A_49, %dma_start3A_54, %dma_start3A_55] : memref<26x100000x64xf32, #tpu.memory_space<hbm>> -> memref<1x100000x64xf32, #tpu.memory_space<hbm>>
    %dma_start3A_57 = tpu.memref_squeeze %dma_start3A_56 : memref<1x100000x64xf32, #tpu.memory_space<hbm>> -> memref<100000x64xf32, #tpu.memory_space<hbm>>
    %dma_start3A_58 = arith.constant 0 : i32
    %dma_start3A_59 = arith.constant 0 : i32
    %dma_start3A_60 = tpu.memref_slice %dma_start3A_57[%dma_start3A_58, %dma_start3A_59] : memref<100000x64xf32, #tpu.memory_space<hbm>> -> memref<100000x64xf32, #tpu.memory_space<hbm>>
    tpu.enqueue_indirect_dma source(%dma_start3A_60 : memref<100000x64xf32, #tpu.memory_space<hbm>>) target(%arg9 : memref<128x64xf32, #tpu.memory_space<vmem>>) offsets(%dma_start3A_53 : memref<128xi32, #tpu.memory_space<vmem>>) semaphore(%arg17 : memref<!tpu.dma_semaphore, #tpu.memory_space<semaphore_mem>>)
    %add3A_61 = arith.constant 4 : i32
    %add3A_62 = arith.addi %mul3A_2, %add3A_61 : i32
    %shift_right_arithmetic3A_63 = arith.constant 7 : i32
    %shift_right_arithmetic3A_64 = arith.shrsi %add3A_62, %shift_right_arithmetic3A_63 : i32
    %dma_start3A_65 = arith.constant 4 : i32
    %dma_start3A_66 = arith.constant 0 : i32
    %dma_start3A_67 = tpu.memref_slice %arg5[%dma_start3A_65, %dma_start3A_66] : memref<104x128xi32, #tpu.memory_space<vmem>> -> memref<1x128xi32, #tpu.memory_space<vmem>>
    %dma_start3A_68 = tpu.memref_squeeze %dma_start3A_67 : memref<1x128xi32, #tpu.memory_space<vmem>> -> memref<128xi32, #tpu.memory_space<vmem>>
    %dma_start3A_69 = arith.constant 0 : i32
    %dma_start3A_70 = arith.constant 0 : i32
    %dma_start3A_71 = tpu.memref_slice %arg2[%shift_right_arithmetic3A_64, %dma_start3A_69, %dma_start3A_70] : memref<26x100000x64xf32, #tpu.memory_space<hbm>> -> memref<1x100000x64xf32, #tpu.memory_space<hbm>>
    %dma_start3A_72 = tpu.memref_squeeze %dma_start3A_71 : memref<1x100000x64xf32, #tpu.memory_space<hbm>> -> memref<100000x64xf32, #tpu.memory_space<hbm>>
    %dma_start3A_73 = arith.constant 0 : i32
    %dma_start3A_74 = arith.constant 0 : i32
    %dma_start3A_75 = tpu.memref_slice %dma_start3A_72[%dma_start3A_73, %dma_start3A_74] : memref<100000x64xf32, #tpu.memory_space<hbm>> -> memref<100000x64xf32, #tpu.memory_space<hbm>>
    tpu.enqueue_indirect_dma source(%dma_start3A_75 : memref<100000x64xf32, #tpu.memory_space<hbm>>) target(%arg10 : memref<128x64xf32, #tpu.memory_space<vmem>>) offsets(%dma_start3A_68 : memref<128xi32, #tpu.memory_space<vmem>>) semaphore(%arg18 : memref<!tpu.dma_semaphore, #tpu.memory_space<semaphore_mem>>)
    %add3A_76 = arith.constant 5 : i32
    %add3A_77 = arith.addi %mul3A_2, %add3A_76 : i32
    %shift_right_arithmetic3A_78 = arith.constant 7 : i32
    %shift_right_arithmetic3A_79 = arith.shrsi %add3A_77, %shift_right_arithmetic3A_78 : i32
    %dma_start3A_80 = arith.constant 5 : i32
    %dma_start3A_81 = arith.constant 0 : i32
    %dma_start3A_82 = tpu.memref_slice %arg5[%dma_start3A_80, %dma_start3A_81] : memref<104x128xi32, #tpu.memory_space<vmem>> -> memref<1x128xi32, #tpu.memory_space<vmem>>
    %dma_start3A_83 = tpu.memref_squeeze %dma_start3A_82 : memref<1x128xi32, #tpu.memory_space<vmem>> -> memref<128xi32, #tpu.memory_space<vmem>>
    %dma_start3A_84 = arith.constant 0 : i32
    %dma_start3A_85 = arith.constant 0 : i32
    %dma_start3A_86 = tpu.memref_slice %arg2[%shift_right_arithmetic3A_79, %dma_start3A_84, %dma_start3A_85] : memref<26x100000x64xf32, #tpu.memory_space<hbm>> -> memref<1x100000x64xf32, #tpu.memory_space<hbm>>
    %dma_start3A_87 = tpu.memref_squeeze %dma_start3A_86 : memref<1x100000x64xf32, #tpu.memory_space<hbm>> -> memref<100000x64xf32, #tpu.memory_space<hbm>>
    %dma_start3A_88 = arith.constant 0 : i32
    %dma_start3A_89 = arith.constant 0 : i32
    %dma_start3A_90 = tpu.memref_slice %dma_start3A_87[%dma_start3A_88, %dma_start3A_89] : memref<100000x64xf32, #tpu.memory_space<hbm>> -> memref<100000x64xf32, #tpu.memory_space<hbm>>
    tpu.enqueue_indirect_dma source(%dma_start3A_90 : memref<100000x64xf32, #tpu.memory_space<hbm>>) target(%arg11 : memref<128x64xf32, #tpu.memory_space<vmem>>) offsets(%dma_start3A_83 : memref<128xi32, #tpu.memory_space<vmem>>) semaphore(%arg19 : memref<!tpu.dma_semaphore, #tpu.memory_space<semaphore_mem>>)
    %add3A_91 = arith.constant 6 : i32
    %add3A_92 = arith.addi %mul3A_2, %add3A_91 : i32
    %shift_right_arithmetic3A_93 = arith.constant 7 : i32
    %shift_right_arithmetic3A_94 = arith.shrsi %add3A_92, %shift_right_arithmetic3A_93 : i32
    %dma_start3A_95 = arith.constant 6 : i32
    %dma_start3A_96 = arith.constant 0 : i32
    %dma_start3A_97 = tpu.memref_slice %arg5[%dma_start3A_95, %dma_start3A_96] : memref<104x128xi32, #tpu.memory_space<vmem>> -> memref<1x128xi32, #tpu.memory_space<vmem>>
    %dma_start3A_98 = tpu.memref_squeeze %dma_start3A_97 : memref<1x128xi32, #tpu.memory_space<vmem>> -> memref<128xi32, #tpu.memory_space<vmem>>
    %dma_start3A_99 = arith.constant 0 : i32
    %dma_start3A_100 = arith.constant 0 : i32
    %dma_start3A_101 = tpu.memref_slice %arg2[%shift_right_arithmetic3A_94, %dma_start3A_99, %dma_start3A_100] : memref<26x100000x64xf32, #tpu.memory_space<hbm>> -> memref<1x100000x64xf32, #tpu.memory_space<hbm>>
    %dma_start3A_102 = tpu.memref_squeeze %dma_start3A_101 : memref<1x100000x64xf32, #tpu.memory_space<hbm>> -> memref<100000x64xf32, #tpu.memory_space<hbm>>
    %dma_start3A_103 = arith.constant 0 : i32
    %dma_start3A_104 = arith.constant 0 : i32
    %dma_start3A_105 = tpu.memref_slice %dma_start3A_102[%dma_start3A_103, %dma_start3A_104] : memref<100000x64xf32, #tpu.memory_space<hbm>> -> memref<100000x64xf32, #tpu.memory_space<hbm>>
    tpu.enqueue_indirect_dma source(%dma_start3A_105 : memref<100000x64xf32, #tpu.memory_space<hbm>>) target(%arg12 : memref<128x64xf32, #tpu.memory_space<vmem>>) offsets(%dma_start3A_98 : memref<128xi32, #tpu.memory_space<vmem>>) semaphore(%arg20 : memref<!tpu.dma_semaphore, #tpu.memory_space<semaphore_mem>>)
    %add3A_106 = arith.constant 7 : i32
    %add3A_107 = arith.addi %mul3A_2, %add3A_106 : i32
    %shift_right_arithmetic3A_108 = arith.constant 7 : i32
    %shift_right_arithmetic3A_109 = arith.shrsi %add3A_107, %shift_right_arithmetic3A_108 : i32
    %dma_start3A_110 = arith.constant 7 : i32
    %dma_start3A_111 = arith.constant 0 : i32
    %dma_start3A_112 = tpu.memref_slice %arg5[%dma_start3A_110, %dma_start3A_111] : memref<104x128xi32, #tpu.memory_space<vmem>> -> memref<1x128xi32, #tpu.memory_space<vmem>>
    %dma_start3A_113 = tpu.memref_squeeze %dma_start3A_112 : memref<1x128xi32, #tpu.memory_space<vmem>> -> memref<128xi32, #tpu.memory_space<vmem>>
    %dma_start3A_114 = arith.constant 0 : i32
    %dma_start3A_115 = arith.constant 0 : i32
    %dma_start3A_116 = tpu.memref_slice %arg2[%shift_right_arithmetic3A_109, %dma_start3A_114, %dma_start3A_115] : memref<26x100000x64xf32, #tpu.memory_space<hbm>> -> memref<1x100000x64xf32, #tpu.memory_space<hbm>>
    %dma_start3A_117 = tpu.memref_squeeze %dma_start3A_116 : memref<1x100000x64xf32, #tpu.memory_space<hbm>> -> memref<100000x64xf32, #tpu.memory_space<hbm>>
    %dma_start3A_118 = arith.constant 0 : i32
    %dma_start3A_119 = arith.constant 0 : i32
    %dma_start3A_120 = tpu.memref_slice %dma_start3A_117[%dma_start3A_118, %dma_start3A_119] : memref<100000x64xf32, #tpu.memory_space<hbm>> -> memref<100000x64xf32, #tpu.memory_space<hbm>>
    tpu.enqueue_indirect_dma source(%dma_start3A_120 : memref<100000x64xf32, #tpu.memory_space<hbm>>) target(%arg13 : memref<128x64xf32, #tpu.memory_space<vmem>>) offsets(%dma_start3A_113 : memref<128xi32, #tpu.memory_space<vmem>>) semaphore(%arg21 : memref<!tpu.dma_semaphore, #tpu.memory_space<semaphore_mem>>)
    %scan3A = arith.constant 0 : i32
    %scan3A_121 = arith.constant 0 : i32
    %scan3A_122 = arith.constant 13 : i32
    %scan3A_123 = arith.addi %scan3A_121, %scan3A_122 : i32
    %scan3A_124 = arith.constant 1 : i32
    scf.for %scan3A_126 = %scan3A_121 to %scan3A_123 step %scan3A_124  : i32 {
      %mul3A_127 = arith.constant 8 : i32
      %mul3A_128 = arith.muli %scan3A_126, %mul3A_127 : i32
      %add3A_129 = arith.constant 0 : i32
      %add3A_130 = arith.addi %mul3A_128, %add3A_129 : i32
      %add3A_131 = arith.addi %mul3A_2, %add3A_130 : i32
      %shift_right_arithmetic3A_132 = arith.constant 7 : i32
      %shift_right_arithmetic3A_133 = arith.shrsi %add3A_131, %shift_right_arithmetic3A_132 : i32
      %dma_wait3A = arith.constant 0 : i32
      %dma_wait3A_134 = tpu.memref_slice %arg5[%add3A_130, %dma_wait3A] : memref<104x128xi32, #tpu.memory_space<vmem>> -> memref<1x128xi32, #tpu.memory_space<vmem>>
      %dma_wait3A_135 = tpu.memref_squeeze %dma_wait3A_134 : memref<1x128xi32, #tpu.memory_space<vmem>> -> memref<128xi32, #tpu.memory_space<vmem>>
      %dma_wait3A_136 = arith.constant 0 : i32
      %dma_wait3A_137 = arith.constant 0 : i32
      %dma_wait3A_138 = tpu.memref_slice %arg2[%shift_right_arithmetic3A_133, %dma_wait3A_136, %dma_wait3A_137] : memref<26x100000x64xf32, #tpu.memory_space<hbm>> -> memref<1x100000x64xf32, #tpu.memory_space<hbm>>
      %dma_wait3A_139 = tpu.memref_squeeze %dma_wait3A_138 : memref<1x100000x64xf32, #tpu.memory_space<hbm>> -> memref<100000x64xf32, #tpu.memory_space<hbm>>
      %dma_wait3A_140 = arith.constant 0 : i32
      %dma_wait3A_141 = arith.constant 0 : i32
      %dma_wait3A_142 = tpu.memref_slice %dma_wait3A_139[%dma_wait3A_140, %dma_wait3A_141] : memref<100000x64xf32, #tpu.memory_space<hbm>> -> memref<100000x64xf32, #tpu.memory_space<hbm>>
      tpu.wait_indirect_dma semaphore(%arg14 : memref<!tpu.dma_semaphore, #tpu.memory_space<semaphore_mem>>) src(%dma_wait3A_142 : memref<100000x64xf32, #tpu.memory_space<hbm>>) dst(%arg6 : memref<128x64xf32, #tpu.memory_space<vmem>>)
      %add3A_143 = arith.addi %mul3A_2, %add3A_130 : i32
      %shift_right_arithmetic3A_144 = arith.constant 7 : i32
      %shift_right_arithmetic3A_145 = arith.shrsi %add3A_143, %shift_right_arithmetic3A_144 : i32
      %and3A = arith.constant 127 : i32
      %and3A_146 = arith.andi %add3A_143, %and3A : i32
      %mul3A_147 = arith.constant 128 : i32
      %mul3A_148 = arith.muli %and3A_146, %mul3A_147 : i32
      %dma_start3A_149 = arith.constant 0 : i32
      %dma_start3A_150 = arith.constant 0 : i32
      %dma_start3A_151 = tpu.memref_slice %arg4[%shift_right_arithmetic3A_145, %dma_start3A_149, %dma_start3A_150] : memref<26x16384x64xf32, #tpu.memory_space<hbm>> -> memref<1x16384x64xf32, #tpu.memory_space<hbm>>
      %dma_start3A_152 = tpu.memref_squeeze %dma_start3A_151 : memref<1x16384x64xf32, #tpu.memory_space<hbm>> -> memref<16384x64xf32, #tpu.memory_space<hbm>>
      %dma_start3A_153 = arith.constant 0 : i32
      %dma_start3A_154 = tpu.memref_slice %dma_start3A_152[%mul3A_148, %dma_start3A_153] : memref<16384x64xf32, #tpu.memory_space<hbm>> -> memref<128x64xf32, #tpu.memory_space<hbm>>
      %dma_start3A_155 = arith.constant 0 : i32
      %dma_start3A_156 = arith.constant 0 : i32
      %dma_start3A_157 = tpu.memref_slice %arg4[%shift_right_arithmetic3A_145, %dma_start3A_155, %dma_start3A_156] : memref<26x16384x64xf32, #tpu.memory_space<hbm>> -> memref<1x16384x64xf32, #tpu.memory_space<hbm>>
      %dma_start3A_158 = tpu.memref_squeeze %dma_start3A_157 : memref<1x16384x64xf32, #tpu.memory_space<hbm>> -> memref<16384x64xf32, #tpu.memory_space<hbm>>
      %dma_start3A_159 = arith.constant 0 : i32
      %dma_start3A_160 = tpu.memref_slice %dma_start3A_158[%mul3A_148, %dma_start3A_159] : memref<16384x64xf32, #tpu.memory_space<hbm>> -> memref<128x64xf32, #tpu.memory_space<hbm>>
      tpu.enqueue_dma source(%arg6 : memref<128x64xf32, #tpu.memory_space<vmem>>) target(%dma_start3A_160 : memref<128x64xf32, #tpu.memory_space<hbm>>) target_semaphore(%arg22 : memref<!tpu.dma_semaphore, #tpu.memory_space<semaphore_mem>>)
      %add3A_161 = arith.addi %mul3A_2, %add3A_130 : i32
      %shift_right_arithmetic3A_162 = arith.constant 7 : i32
      %shift_right_arithmetic3A_163 = arith.shrsi %add3A_161, %shift_right_arithmetic3A_162 : i32
      %and3A_164 = arith.constant 127 : i32
      %and3A_165 = arith.andi %add3A_161, %and3A_164 : i32
      %mul3A_166 = arith.constant 128 : i32
      %mul3A_167 = arith.muli %and3A_165, %mul3A_166 : i32
      %dma_wait3A_168 = arith.constant 0 : i32
      %dma_wait3A_169 = arith.constant 0 : i32
      %dma_wait3A_170 = tpu.memref_slice %arg4[%shift_right_arithmetic3A_163, %dma_wait3A_168, %dma_wait3A_169] : memref<26x16384x64xf32, #tpu.memory_space<hbm>> -> memref<1x16384x64xf32, #tpu.memory_space<hbm>>
      %dma_wait3A_171 = tpu.memref_squeeze %dma_wait3A_170 : memref<1x16384x64xf32, #tpu.memory_space<hbm>> -> memref<16384x64xf32, #tpu.memory_space<hbm>>
      %dma_wait3A_172 = arith.constant 0 : i32
      %dma_wait3A_173 = tpu.memref_slice %dma_wait3A_171[%mul3A_167, %dma_wait3A_172] : memref<16384x64xf32, #tpu.memory_space<hbm>> -> memref<128x64xf32, #tpu.memory_space<hbm>>
      %dma_wait3A_174 = arith.constant 0 : i32
      %dma_wait3A_175 = arith.constant 0 : i32
      %dma_wait3A_176 = tpu.memref_slice %arg4[%shift_right_arithmetic3A_163, %dma_wait3A_174, %dma_wait3A_175] : memref<26x16384x64xf32, #tpu.memory_space<hbm>> -> memref<1x16384x64xf32, #tpu.memory_space<hbm>>
      %dma_wait3A_177 = tpu.memref_squeeze %dma_wait3A_176 : memref<1x16384x64xf32, #tpu.memory_space<hbm>> -> memref<16384x64xf32, #tpu.memory_space<hbm>>
      %dma_wait3A_178 = arith.constant 0 : i32
      %dma_wait3A_179 = tpu.memref_slice %dma_wait3A_177[%mul3A_167, %dma_wait3A_178] : memref<16384x64xf32, #tpu.memory_space<hbm>> -> memref<128x64xf32, #tpu.memory_space<hbm>>
      tpu.wait_dma2 semaphore(%arg22 : memref<!tpu.dma_semaphore, #tpu.memory_space<semaphore_mem>>) src(%arg6 : memref<128x64xf32, #tpu.memory_space<vmem>>) dst(%dma_wait3A_179 : memref<128x64xf32, #tpu.memory_space<hbm>>)
      %add3A_180 = arith.constant 8 : i32
      %add3A_181 = arith.addi %add3A_130, %add3A_180 : i32
      %lt3A = arith.constant 104 : i32
      %lt3A_182 = arith.cmpi slt, %add3A_181, %lt3A : i32
      %convert_element_type3A = arith.extui %lt3A_182 : i1 to i32
      %cond3A = arith.constant 0 : i32
      %cond3A_183 = arith.cmpi ne, %convert_element_type3A, %cond3A : i32
      scf.if %cond3A_183 {
        %add3A_604 = arith.addi %mul3A_2, %add3A_181 : i32
        %shift_right_arithmetic3A_605 = arith.constant 7 : i32
        %shift_right_arithmetic3A_606 = arith.shrsi %add3A_604, %shift_right_arithmetic3A_605 : i32
        %dma_start3A_607 = arith.constant 0 : i32
        %dma_start3A_608 = tpu.memref_slice %arg5[%add3A_181, %dma_start3A_607] : memref<104x128xi32, #tpu.memory_space<vmem>> -> memref<1x128xi32, #tpu.memory_space<vmem>>
        %dma_start3A_609 = tpu.memref_squeeze %dma_start3A_608 : memref<1x128xi32, #tpu.memory_space<vmem>> -> memref<128xi32, #tpu.memory_space<vmem>>
        %dma_start3A_610 = arith.constant 0 : i32
        %dma_start3A_611 = arith.constant 0 : i32
        %dma_start3A_612 = tpu.memref_slice %arg2[%shift_right_arithmetic3A_606, %dma_start3A_610, %dma_start3A_611] : memref<26x100000x64xf32, #tpu.memory_space<hbm>> -> memref<1x100000x64xf32, #tpu.memory_space<hbm>>
        %dma_start3A_613 = tpu.memref_squeeze %dma_start3A_612 : memref<1x100000x64xf32, #tpu.memory_space<hbm>> -> memref<100000x64xf32, #tpu.memory_space<hbm>>
        %dma_start3A_614 = arith.constant 0 : i32
        %dma_start3A_615 = arith.constant 0 : i32
        %dma_start3A_616 = tpu.memref_slice %dma_start3A_613[%dma_start3A_614, %dma_start3A_615] : memref<100000x64xf32, #tpu.memory_space<hbm>> -> memref<100000x64xf32, #tpu.memory_space<hbm>>
        tpu.enqueue_indirect_dma source(%dma_start3A_616 : memref<100000x64xf32, #tpu.memory_space<hbm>>) target(%arg6 : memref<128x64xf32, #tpu.memory_space<vmem>>) offsets(%dma_start3A_609 : memref<128xi32, #tpu.memory_space<vmem>>) semaphore(%arg14 : memref<!tpu.dma_semaphore, #tpu.memory_space<semaphore_mem>>)
      } else {
      }
      %add3A_184 = arith.constant 1 : i32
      %add3A_185 = arith.addi %mul3A_128, %add3A_184 : i32
      %add3A_186 = arith.addi %mul3A_2, %add3A_185 : i32
      %shift_right_arithmetic3A_187 = arith.constant 7 : i32
      %shift_right_arithmetic3A_188 = arith.shrsi %add3A_186, %shift_right_arithmetic3A_187 : i32
      %dma_wait3A_189 = arith.constant 0 : i32
      %dma_wait3A_190 = tpu.memref_slice %arg5[%add3A_185, %dma_wait3A_189] : memref<104x128xi32, #tpu.memory_space<vmem>> -> memref<1x128xi32, #tpu.memory_space<vmem>>
      %dma_wait3A_191 = tpu.memref_squeeze %dma_wait3A_190 : memref<1x128xi32, #tpu.memory_space<vmem>> -> memref<128xi32, #tpu.memory_space<vmem>>
      %dma_wait3A_192 = arith.constant 0 : i32
      %dma_wait3A_193 = arith.constant 0 : i32
      %dma_wait3A_194 = tpu.memref_slice %arg2[%shift_right_arithmetic3A_188, %dma_wait3A_192, %dma_wait3A_193] : memref<26x100000x64xf32, #tpu.memory_space<hbm>> -> memref<1x100000x64xf32, #tpu.memory_space<hbm>>
      %dma_wait3A_195 = tpu.memref_squeeze %dma_wait3A_194 : memref<1x100000x64xf32, #tpu.memory_space<hbm>> -> memref<100000x64xf32, #tpu.memory_space<hbm>>
      %dma_wait3A_196 = arith.constant 0 : i32
      %dma_wait3A_197 = arith.constant 0 : i32
      %dma_wait3A_198 = tpu.memref_slice %dma_wait3A_195[%dma_wait3A_196, %dma_wait3A_197] : memref<100000x64xf32, #tpu.memory_space<hbm>> -> memref<100000x64xf32, #tpu.memory_space<hbm>>
      tpu.wait_indirect_dma semaphore(%arg15 : memref<!tpu.dma_semaphore, #tpu.memory_space<semaphore_mem>>) src(%dma_wait3A_198 : memref<100000x64xf32, #tpu.memory_space<hbm>>) dst(%arg7 : memref<128x64xf32, #tpu.memory_space<vmem>>)
      %add3A_199 = arith.addi %mul3A_2, %add3A_185 : i32
      %shift_right_arithmetic3A_200 = arith.constant 7 : i32
      %shift_right_arithmetic3A_201 = arith.shrsi %add3A_199, %shift_right_arithmetic3A_200 : i32
      %and3A_202 = arith.constant 127 : i32
      %and3A_203 = arith.andi %add3A_199, %and3A_202 : i32
      %mul3A_204 = arith.constant 128 : i32
      %mul3A_205 = arith.muli %and3A_203, %mul3A_204 : i32
      %dma_start3A_206 = arith.constant 0 : i32
      %dma_start3A_207 = arith.constant 0 : i32
      %dma_start3A_208 = tpu.memref_slice %arg4[%shift_right_arithmetic3A_201, %dma_start3A_206, %dma_start3A_207] : memref<26x16384x64xf32, #tpu.memory_space<hbm>> -> memref<1x16384x64xf32, #tpu.memory_space<hbm>>
      %dma_start3A_209 = tpu.memref_squeeze %dma_start3A_208 : memref<1x16384x64xf32, #tpu.memory_space<hbm>> -> memref<16384x64xf32, #tpu.memory_space<hbm>>
      %dma_start3A_210 = arith.constant 0 : i32
      %dma_start3A_211 = tpu.memref_slice %dma_start3A_209[%mul3A_205, %dma_start3A_210] : memref<16384x64xf32, #tpu.memory_space<hbm>> -> memref<128x64xf32, #tpu.memory_space<hbm>>
      %dma_start3A_212 = arith.constant 0 : i32
      %dma_start3A_213 = arith.constant 0 : i32
      %dma_start3A_214 = tpu.memref_slice %arg4[%shift_right_arithmetic3A_201, %dma_start3A_212, %dma_start3A_213] : memref<26x16384x64xf32, #tpu.memory_space<hbm>> -> memref<1x16384x64xf32, #tpu.memory_space<hbm>>
      %dma_start3A_215 = tpu.memref_squeeze %dma_start3A_214 : memref<1x16384x64xf32, #tpu.memory_space<hbm>> -> memref<16384x64xf32, #tpu.memory_space<hbm>>
      %dma_start3A_216 = arith.constant 0 : i32
      %dma_start3A_217 = tpu.memref_slice %dma_start3A_215[%mul3A_205, %dma_start3A_216] : memref<16384x64xf32, #tpu.memory_space<hbm>> -> memref<128x64xf32, #tpu.memory_space<hbm>>
      tpu.enqueue_dma source(%arg7 : memref<128x64xf32, #tpu.memory_space<vmem>>) target(%dma_start3A_217 : memref<128x64xf32, #tpu.memory_space<hbm>>) target_semaphore(%arg23 : memref<!tpu.dma_semaphore, #tpu.memory_space<semaphore_mem>>)
      %add3A_218 = arith.addi %mul3A_2, %add3A_185 : i32
      %shift_right_arithmetic3A_219 = arith.constant 7 : i32
      %shift_right_arithmetic3A_220 = arith.shrsi %add3A_218, %shift_right_arithmetic3A_219 : i32
      %and3A_221 = arith.constant 127 : i32
      %and3A_222 = arith.andi %add3A_218, %and3A_221 : i32
      %mul3A_223 = arith.constant 128 : i32
      %mul3A_224 = arith.muli %and3A_222, %mul3A_223 : i32
      %dma_wait3A_225 = arith.constant 0 : i32
      %dma_wait3A_226 = arith.constant 0 : i32
      %dma_wait3A_227 = tpu.memref_slice %arg4[%shift_right_arithmetic3A_220, %dma_wait3A_225, %dma_wait3A_226] : memref<26x16384x64xf32, #tpu.memory_space<hbm>> -> memref<1x16384x64xf32, #tpu.memory_space<hbm>>
      %dma_wait3A_228 = tpu.memref_squeeze %dma_wait3A_227 : memref<1x16384x64xf32, #tpu.memory_space<hbm>> -> memref<16384x64xf32, #tpu.memory_space<hbm>>
      %dma_wait3A_229 = arith.constant 0 : i32
      %dma_wait3A_230 = tpu.memref_slice %dma_wait3A_228[%mul3A_224, %dma_wait3A_229] : memref<16384x64xf32, #tpu.memory_space<hbm>> -> memref<128x64xf32, #tpu.memory_space<hbm>>
      %dma_wait3A_231 = arith.constant 0 : i32
      %dma_wait3A_232 = arith.constant 0 : i32
      %dma_wait3A_233 = tpu.memref_slice %arg4[%shift_right_arithmetic3A_220, %dma_wait3A_231, %dma_wait3A_232] : memref<26x16384x64xf32, #tpu.memory_space<hbm>> -> memref<1x16384x64xf32, #tpu.memory_space<hbm>>
      %dma_wait3A_234 = tpu.memref_squeeze %dma_wait3A_233 : memref<1x16384x64xf32, #tpu.memory_space<hbm>> -> memref<16384x64xf32, #tpu.memory_space<hbm>>
      %dma_wait3A_235 = arith.constant 0 : i32
      %dma_wait3A_236 = tpu.memref_slice %dma_wait3A_234[%mul3A_224, %dma_wait3A_235] : memref<16384x64xf32, #tpu.memory_space<hbm>> -> memref<128x64xf32, #tpu.memory_space<hbm>>
      tpu.wait_dma2 semaphore(%arg23 : memref<!tpu.dma_semaphore, #tpu.memory_space<semaphore_mem>>) src(%arg7 : memref<128x64xf32, #tpu.memory_space<vmem>>) dst(%dma_wait3A_236 : memref<128x64xf32, #tpu.memory_space<hbm>>)
      %add3A_237 = arith.constant 8 : i32
      %add3A_238 = arith.addi %add3A_185, %add3A_237 : i32
      %lt3A_239 = arith.constant 104 : i32
      %lt3A_240 = arith.cmpi slt, %add3A_238, %lt3A_239 : i32
      %convert_element_type3A_241 = arith.extui %lt3A_240 : i1 to i32
      %cond3A_242 = arith.constant 0 : i32
      %cond3A_243 = arith.cmpi ne, %convert_element_type3A_241, %cond3A_242 : i32
      scf.if %cond3A_243 {
        %add3A_604 = arith.addi %mul3A_2, %add3A_238 : i32
        %shift_right_arithmetic3A_605 = arith.constant 7 : i32
        %shift_right_arithmetic3A_606 = arith.shrsi %add3A_604, %shift_right_arithmetic3A_605 : i32
        %dma_start3A_607 = arith.constant 0 : i32
        %dma_start3A_608 = tpu.memref_slice %arg5[%add3A_238, %dma_start3A_607] : memref<104x128xi32, #tpu.memory_space<vmem>> -> memref<1x128xi32, #tpu.memory_space<vmem>>
        %dma_start3A_609 = tpu.memref_squeeze %dma_start3A_608 : memref<1x128xi32, #tpu.memory_space<vmem>> -> memref<128xi32, #tpu.memory_space<vmem>>
        %dma_start3A_610 = arith.constant 0 : i32
        %dma_start3A_611 = arith.constant 0 : i32
        %dma_start3A_612 = tpu.memref_slice %arg2[%shift_right_arithmetic3A_606, %dma_start3A_610, %dma_start3A_611] : memref<26x100000x64xf32, #tpu.memory_space<hbm>> -> memref<1x100000x64xf32, #tpu.memory_space<hbm>>
        %dma_start3A_613 = tpu.memref_squeeze %dma_start3A_612 : memref<1x100000x64xf32, #tpu.memory_space<hbm>> -> memref<100000x64xf32, #tpu.memory_space<hbm>>
        %dma_start3A_614 = arith.constant 0 : i32
        %dma_start3A_615 = arith.constant 0 : i32
        %dma_start3A_616 = tpu.memref_slice %dma_start3A_613[%dma_start3A_614, %dma_start3A_615] : memref<100000x64xf32, #tpu.memory_space<hbm>> -> memref<100000x64xf32, #tpu.memory_space<hbm>>
        tpu.enqueue_indirect_dma source(%dma_start3A_616 : memref<100000x64xf32, #tpu.memory_space<hbm>>) target(%arg7 : memref<128x64xf32, #tpu.memory_space<vmem>>) offsets(%dma_start3A_609 : memref<128xi32, #tpu.memory_space<vmem>>) semaphore(%arg15 : memref<!tpu.dma_semaphore, #tpu.memory_space<semaphore_mem>>)
      } else {
      }
      %add3A_244 = arith.constant 2 : i32
      %add3A_245 = arith.addi %mul3A_128, %add3A_244 : i32
      %add3A_246 = arith.addi %mul3A_2, %add3A_245 : i32
      %shift_right_arithmetic3A_247 = arith.constant 7 : i32
      %shift_right_arithmetic3A_248 = arith.shrsi %add3A_246, %shift_right_arithmetic3A_247 : i32
      %dma_wait3A_249 = arith.constant 0 : i32
      %dma_wait3A_250 = tpu.memref_slice %arg5[%add3A_245, %dma_wait3A_249] : memref<104x128xi32, #tpu.memory_space<vmem>> -> memref<1x128xi32, #tpu.memory_space<vmem>>
      %dma_wait3A_251 = tpu.memref_squeeze %dma_wait3A_250 : memref<1x128xi32, #tpu.memory_space<vmem>> -> memref<128xi32, #tpu.memory_space<vmem>>
      %dma_wait3A_252 = arith.constant 0 : i32
      %dma_wait3A_253 = arith.constant 0 : i32
      %dma_wait3A_254 = tpu.memref_slice %arg2[%shift_right_arithmetic3A_248, %dma_wait3A_252, %dma_wait3A_253] : memref<26x100000x64xf32, #tpu.memory_space<hbm>> -> memref<1x100000x64xf32, #tpu.memory_space<hbm>>
      %dma_wait3A_255 = tpu.memref_squeeze %dma_wait3A_254 : memref<1x100000x64xf32, #tpu.memory_space<hbm>> -> memref<100000x64xf32, #tpu.memory_space<hbm>>
      %dma_wait3A_256 = arith.constant 0 : i32
      %dma_wait3A_257 = arith.constant 0 : i32
      %dma_wait3A_258 = tpu.memref_slice %dma_wait3A_255[%dma_wait3A_256, %dma_wait3A_257] : memref<100000x64xf32, #tpu.memory_space<hbm>> -> memref<100000x64xf32, #tpu.memory_space<hbm>>
      tpu.wait_indirect_dma semaphore(%arg16 : memref<!tpu.dma_semaphore, #tpu.memory_space<semaphore_mem>>) src(%dma_wait3A_258 : memref<100000x64xf32, #tpu.memory_space<hbm>>) dst(%arg8 : memref<128x64xf32, #tpu.memory_space<vmem>>)
      %add3A_259 = arith.addi %mul3A_2, %add3A_245 : i32
      %shift_right_arithmetic3A_260 = arith.constant 7 : i32
      %shift_right_arithmetic3A_261 = arith.shrsi %add3A_259, %shift_right_arithmetic3A_260 : i32
      %and3A_262 = arith.constant 127 : i32
      %and3A_263 = arith.andi %add3A_259, %and3A_262 : i32
      %mul3A_264 = arith.constant 128 : i32
      %mul3A_265 = arith.muli %and3A_263, %mul3A_264 : i32
      %dma_start3A_266 = arith.constant 0 : i32
      %dma_start3A_267 = arith.constant 0 : i32
      %dma_start3A_268 = tpu.memref_slice %arg4[%shift_right_arithmetic3A_261, %dma_start3A_266, %dma_start3A_267] : memref<26x16384x64xf32, #tpu.memory_space<hbm>> -> memref<1x16384x64xf32, #tpu.memory_space<hbm>>
      %dma_start3A_269 = tpu.memref_squeeze %dma_start3A_268 : memref<1x16384x64xf32, #tpu.memory_space<hbm>> -> memref<16384x64xf32, #tpu.memory_space<hbm>>
      %dma_start3A_270 = arith.constant 0 : i32
      %dma_start3A_271 = tpu.memref_slice %dma_start3A_269[%mul3A_265, %dma_start3A_270] : memref<16384x64xf32, #tpu.memory_space<hbm>> -> memref<128x64xf32, #tpu.memory_space<hbm>>
      %dma_start3A_272 = arith.constant 0 : i32
      %dma_start3A_273 = arith.constant 0 : i32
      %dma_start3A_274 = tpu.memref_slice %arg4[%shift_right_arithmetic3A_261, %dma_start3A_272, %dma_start3A_273] : memref<26x16384x64xf32, #tpu.memory_space<hbm>> -> memref<1x16384x64xf32, #tpu.memory_space<hbm>>
      %dma_start3A_275 = tpu.memref_squeeze %dma_start3A_274 : memref<1x16384x64xf32, #tpu.memory_space<hbm>> -> memref<16384x64xf32, #tpu.memory_space<hbm>>
      %dma_start3A_276 = arith.constant 0 : i32
      %dma_start3A_277 = tpu.memref_slice %dma_start3A_275[%mul3A_265, %dma_start3A_276] : memref<16384x64xf32, #tpu.memory_space<hbm>> -> memref<128x64xf32, #tpu.memory_space<hbm>>
      tpu.enqueue_dma source(%arg8 : memref<128x64xf32, #tpu.memory_space<vmem>>) target(%dma_start3A_277 : memref<128x64xf32, #tpu.memory_space<hbm>>) target_semaphore(%arg24 : memref<!tpu.dma_semaphore, #tpu.memory_space<semaphore_mem>>)
      %add3A_278 = arith.addi %mul3A_2, %add3A_245 : i32
      %shift_right_arithmetic3A_279 = arith.constant 7 : i32
      %shift_right_arithmetic3A_280 = arith.shrsi %add3A_278, %shift_right_arithmetic3A_279 : i32
      %and3A_281 = arith.constant 127 : i32
      %and3A_282 = arith.andi %add3A_278, %and3A_281 : i32
      %mul3A_283 = arith.constant 128 : i32
      %mul3A_284 = arith.muli %and3A_282, %mul3A_283 : i32
      %dma_wait3A_285 = arith.constant 0 : i32
      %dma_wait3A_286 = arith.constant 0 : i32
      %dma_wait3A_287 = tpu.memref_slice %arg4[%shift_right_arithmetic3A_280, %dma_wait3A_285, %dma_wait3A_286] : memref<26x16384x64xf32, #tpu.memory_space<hbm>> -> memref<1x16384x64xf32, #tpu.memory_space<hbm>>
      %dma_wait3A_288 = tpu.memref_squeeze %dma_wait3A_287 : memref<1x16384x64xf32, #tpu.memory_space<hbm>> -> memref<16384x64xf32, #tpu.memory_space<hbm>>
      %dma_wait3A_289 = arith.constant 0 : i32
      %dma_wait3A_290 = tpu.memref_slice %dma_wait3A_288[%mul3A_284, %dma_wait3A_289] : memref<16384x64xf32, #tpu.memory_space<hbm>> -> memref<128x64xf32, #tpu.memory_space<hbm>>
      %dma_wait3A_291 = arith.constant 0 : i32
      %dma_wait3A_292 = arith.constant 0 : i32
      %dma_wait3A_293 = tpu.memref_slice %arg4[%shift_right_arithmetic3A_280, %dma_wait3A_291, %dma_wait3A_292] : memref<26x16384x64xf32, #tpu.memory_space<hbm>> -> memref<1x16384x64xf32, #tpu.memory_space<hbm>>
      %dma_wait3A_294 = tpu.memref_squeeze %dma_wait3A_293 : memref<1x16384x64xf32, #tpu.memory_space<hbm>> -> memref<16384x64xf32, #tpu.memory_space<hbm>>
      %dma_wait3A_295 = arith.constant 0 : i32
      %dma_wait3A_296 = tpu.memref_slice %dma_wait3A_294[%mul3A_284, %dma_wait3A_295] : memref<16384x64xf32, #tpu.memory_space<hbm>> -> memref<128x64xf32, #tpu.memory_space<hbm>>
      tpu.wait_dma2 semaphore(%arg24 : memref<!tpu.dma_semaphore, #tpu.memory_space<semaphore_mem>>) src(%arg8 : memref<128x64xf32, #tpu.memory_space<vmem>>) dst(%dma_wait3A_296 : memref<128x64xf32, #tpu.memory_space<hbm>>)
      %add3A_297 = arith.constant 8 : i32
      %add3A_298 = arith.addi %add3A_245, %add3A_297 : i32
      %lt3A_299 = arith.constant 104 : i32
      %lt3A_300 = arith.cmpi slt, %add3A_298, %lt3A_299 : i32
      %convert_element_type3A_301 = arith.extui %lt3A_300 : i1 to i32
      %cond3A_302 = arith.constant 0 : i32
      %cond3A_303 = arith.cmpi ne, %convert_element_type3A_301, %cond3A_302 : i32
      scf.if %cond3A_303 {
        %add3A_604 = arith.addi %mul3A_2, %add3A_298 : i32
        %shift_right_arithmetic3A_605 = arith.constant 7 : i32
        %shift_right_arithmetic3A_606 = arith.shrsi %add3A_604, %shift_right_arithmetic3A_605 : i32
        %dma_start3A_607 = arith.constant 0 : i32
        %dma_start3A_608 = tpu.memref_slice %arg5[%add3A_298, %dma_start3A_607] : memref<104x128xi32, #tpu.memory_space<vmem>> -> memref<1x128xi32, #tpu.memory_space<vmem>>
        %dma_start3A_609 = tpu.memref_squeeze %dma_start3A_608 : memref<1x128xi32, #tpu.memory_space<vmem>> -> memref<128xi32, #tpu.memory_space<vmem>>
        %dma_start3A_610 = arith.constant 0 : i32
        %dma_start3A_611 = arith.constant 0 : i32
        %dma_start3A_612 = tpu.memref_slice %arg2[%shift_right_arithmetic3A_606, %dma_start3A_610, %dma_start3A_611] : memref<26x100000x64xf32, #tpu.memory_space<hbm>> -> memref<1x100000x64xf32, #tpu.memory_space<hbm>>
        %dma_start3A_613 = tpu.memref_squeeze %dma_start3A_612 : memref<1x100000x64xf32, #tpu.memory_space<hbm>> -> memref<100000x64xf32, #tpu.memory_space<hbm>>
        %dma_start3A_614 = arith.constant 0 : i32
        %dma_start3A_615 = arith.constant 0 : i32
        %dma_start3A_616 = tpu.memref_slice %dma_start3A_613[%dma_start3A_614, %dma_start3A_615] : memref<100000x64xf32, #tpu.memory_space<hbm>> -> memref<100000x64xf32, #tpu.memory_space<hbm>>
        tpu.enqueue_indirect_dma source(%dma_start3A_616 : memref<100000x64xf32, #tpu.memory_space<hbm>>) target(%arg8 : memref<128x64xf32, #tpu.memory_space<vmem>>) offsets(%dma_start3A_609 : memref<128xi32, #tpu.memory_space<vmem>>) semaphore(%arg16 : memref<!tpu.dma_semaphore, #tpu.memory_space<semaphore_mem>>)
      } else {
      }
      %add3A_304 = arith.constant 3 : i32
      %add3A_305 = arith.addi %mul3A_128, %add3A_304 : i32
      %add3A_306 = arith.addi %mul3A_2, %add3A_305 : i32
      %shift_right_arithmetic3A_307 = arith.constant 7 : i32
      %shift_right_arithmetic3A_308 = arith.shrsi %add3A_306, %shift_right_arithmetic3A_307 : i32
      %dma_wait3A_309 = arith.constant 0 : i32
      %dma_wait3A_310 = tpu.memref_slice %arg5[%add3A_305, %dma_wait3A_309] : memref<104x128xi32, #tpu.memory_space<vmem>> -> memref<1x128xi32, #tpu.memory_space<vmem>>
      %dma_wait3A_311 = tpu.memref_squeeze %dma_wait3A_310 : memref<1x128xi32, #tpu.memory_space<vmem>> -> memref<128xi32, #tpu.memory_space<vmem>>
      %dma_wait3A_312 = arith.constant 0 : i32
      %dma_wait3A_313 = arith.constant 0 : i32
      %dma_wait3A_314 = tpu.memref_slice %arg2[%shift_right_arithmetic3A_308, %dma_wait3A_312, %dma_wait3A_313] : memref<26x100000x64xf32, #tpu.memory_space<hbm>> -> memref<1x100000x64xf32, #tpu.memory_space<hbm>>
      %dma_wait3A_315 = tpu.memref_squeeze %dma_wait3A_314 : memref<1x100000x64xf32, #tpu.memory_space<hbm>> -> memref<100000x64xf32, #tpu.memory_space<hbm>>
      %dma_wait3A_316 = arith.constant 0 : i32
      %dma_wait3A_317 = arith.constant 0 : i32
      %dma_wait3A_318 = tpu.memref_slice %dma_wait3A_315[%dma_wait3A_316, %dma_wait3A_317] : memref<100000x64xf32, #tpu.memory_space<hbm>> -> memref<100000x64xf32, #tpu.memory_space<hbm>>
      tpu.wait_indirect_dma semaphore(%arg17 : memref<!tpu.dma_semaphore, #tpu.memory_space<semaphore_mem>>) src(%dma_wait3A_318 : memref<100000x64xf32, #tpu.memory_space<hbm>>) dst(%arg9 : memref<128x64xf32, #tpu.memory_space<vmem>>)
      %add3A_319 = arith.addi %mul3A_2, %add3A_305 : i32
      %shift_right_arithmetic3A_320 = arith.constant 7 : i32
      %shift_right_arithmetic3A_321 = arith.shrsi %add3A_319, %shift_right_arithmetic3A_320 : i32
      %and3A_322 = arith.constant 127 : i32
      %and3A_323 = arith.andi %add3A_319, %and3A_322 : i32
      %mul3A_324 = arith.constant 128 : i32
      %mul3A_325 = arith.muli %and3A_323, %mul3A_324 : i32
      %dma_start3A_326 = arith.constant 0 : i32
      %dma_start3A_327 = arith.constant 0 : i32
      %dma_start3A_328 = tpu.memref_slice %arg4[%shift_right_arithmetic3A_321, %dma_start3A_326, %dma_start3A_327] : memref<26x16384x64xf32, #tpu.memory_space<hbm>> -> memref<1x16384x64xf32, #tpu.memory_space<hbm>>
      %dma_start3A_329 = tpu.memref_squeeze %dma_start3A_328 : memref<1x16384x64xf32, #tpu.memory_space<hbm>> -> memref<16384x64xf32, #tpu.memory_space<hbm>>
      %dma_start3A_330 = arith.constant 0 : i32
      %dma_start3A_331 = tpu.memref_slice %dma_start3A_329[%mul3A_325, %dma_start3A_330] : memref<16384x64xf32, #tpu.memory_space<hbm>> -> memref<128x64xf32, #tpu.memory_space<hbm>>
      %dma_start3A_332 = arith.constant 0 : i32
      %dma_start3A_333 = arith.constant 0 : i32
      %dma_start3A_334 = tpu.memref_slice %arg4[%shift_right_arithmetic3A_321, %dma_start3A_332, %dma_start3A_333] : memref<26x16384x64xf32, #tpu.memory_space<hbm>> -> memref<1x16384x64xf32, #tpu.memory_space<hbm>>
      %dma_start3A_335 = tpu.memref_squeeze %dma_start3A_334 : memref<1x16384x64xf32, #tpu.memory_space<hbm>> -> memref<16384x64xf32, #tpu.memory_space<hbm>>
      %dma_start3A_336 = arith.constant 0 : i32
      %dma_start3A_337 = tpu.memref_slice %dma_start3A_335[%mul3A_325, %dma_start3A_336] : memref<16384x64xf32, #tpu.memory_space<hbm>> -> memref<128x64xf32, #tpu.memory_space<hbm>>
      tpu.enqueue_dma source(%arg9 : memref<128x64xf32, #tpu.memory_space<vmem>>) target(%dma_start3A_337 : memref<128x64xf32, #tpu.memory_space<hbm>>) target_semaphore(%arg25 : memref<!tpu.dma_semaphore, #tpu.memory_space<semaphore_mem>>)
      %add3A_338 = arith.addi %mul3A_2, %add3A_305 : i32
      %shift_right_arithmetic3A_339 = arith.constant 7 : i32
      %shift_right_arithmetic3A_340 = arith.shrsi %add3A_338, %shift_right_arithmetic3A_339 : i32
      %and3A_341 = arith.constant 127 : i32
      %and3A_342 = arith.andi %add3A_338, %and3A_341 : i32
      %mul3A_343 = arith.constant 128 : i32
      %mul3A_344 = arith.muli %and3A_342, %mul3A_343 : i32
      %dma_wait3A_345 = arith.constant 0 : i32
      %dma_wait3A_346 = arith.constant 0 : i32
      %dma_wait3A_347 = tpu.memref_slice %arg4[%shift_right_arithmetic3A_340, %dma_wait3A_345, %dma_wait3A_346] : memref<26x16384x64xf32, #tpu.memory_space<hbm>> -> memref<1x16384x64xf32, #tpu.memory_space<hbm>>
      %dma_wait3A_348 = tpu.memref_squeeze %dma_wait3A_347 : memref<1x16384x64xf32, #tpu.memory_space<hbm>> -> memref<16384x64xf32, #tpu.memory_space<hbm>>
      %dma_wait3A_349 = arith.constant 0 : i32
      %dma_wait3A_350 = tpu.memref_slice %dma_wait3A_348[%mul3A_344, %dma_wait3A_349] : memref<16384x64xf32, #tpu.memory_space<hbm>> -> memref<128x64xf32, #tpu.memory_space<hbm>>
      %dma_wait3A_351 = arith.constant 0 : i32
      %dma_wait3A_352 = arith.constant 0 : i32
      %dma_wait3A_353 = tpu.memref_slice %arg4[%shift_right_arithmetic3A_340, %dma_wait3A_351, %dma_wait3A_352] : memref<26x16384x64xf32, #tpu.memory_space<hbm>> -> memref<1x16384x64xf32, #tpu.memory_space<hbm>>
      %dma_wait3A_354 = tpu.memref_squeeze %dma_wait3A_353 : memref<1x16384x64xf32, #tpu.memory_space<hbm>> -> memref<16384x64xf32, #tpu.memory_space<hbm>>
      %dma_wait3A_355 = arith.constant 0 : i32
      %dma_wait3A_356 = tpu.memref_slice %dma_wait3A_354[%mul3A_344, %dma_wait3A_355] : memref<16384x64xf32, #tpu.memory_space<hbm>> -> memref<128x64xf32, #tpu.memory_space<hbm>>
      tpu.wait_dma2 semaphore(%arg25 : memref<!tpu.dma_semaphore, #tpu.memory_space<semaphore_mem>>) src(%arg9 : memref<128x64xf32, #tpu.memory_space<vmem>>) dst(%dma_wait3A_356 : memref<128x64xf32, #tpu.memory_space<hbm>>)
      %add3A_357 = arith.constant 8 : i32
      %add3A_358 = arith.addi %add3A_305, %add3A_357 : i32
      %lt3A_359 = arith.constant 104 : i32
      %lt3A_360 = arith.cmpi slt, %add3A_358, %lt3A_359 : i32
      %convert_element_type3A_361 = arith.extui %lt3A_360 : i1 to i32
      %cond3A_362 = arith.constant 0 : i32
      %cond3A_363 = arith.cmpi ne, %convert_element_type3A_361, %cond3A_362 : i32
      scf.if %cond3A_363 {
        %add3A_604 = arith.addi %mul3A_2, %add3A_358 : i32
        %shift_right_arithmetic3A_605 = arith.constant 7 : i32
        %shift_right_arithmetic3A_606 = arith.shrsi %add3A_604, %shift_right_arithmetic3A_605 : i32
        %dma_start3A_607 = arith.constant 0 : i32
        %dma_start3A_608 = tpu.memref_slice %arg5[%add3A_358, %dma_start3A_607] : memref<104x128xi32, #tpu.memory_space<vmem>> -> memref<1x128xi32, #tpu.memory_space<vmem>>
        %dma_start3A_609 = tpu.memref_squeeze %dma_start3A_608 : memref<1x128xi32, #tpu.memory_space<vmem>> -> memref<128xi32, #tpu.memory_space<vmem>>
        %dma_start3A_610 = arith.constant 0 : i32
        %dma_start3A_611 = arith.constant 0 : i32
        %dma_start3A_612 = tpu.memref_slice %arg2[%shift_right_arithmetic3A_606, %dma_start3A_610, %dma_start3A_611] : memref<26x100000x64xf32, #tpu.memory_space<hbm>> -> memref<1x100000x64xf32, #tpu.memory_space<hbm>>
        %dma_start3A_613 = tpu.memref_squeeze %dma_start3A_612 : memref<1x100000x64xf32, #tpu.memory_space<hbm>> -> memref<100000x64xf32, #tpu.memory_space<hbm>>
        %dma_start3A_614 = arith.constant 0 : i32
        %dma_start3A_615 = arith.constant 0 : i32
        %dma_start3A_616 = tpu.memref_slice %dma_start3A_613[%dma_start3A_614, %dma_start3A_615] : memref<100000x64xf32, #tpu.memory_space<hbm>> -> memref<100000x64xf32, #tpu.memory_space<hbm>>
        tpu.enqueue_indirect_dma source(%dma_start3A_616 : memref<100000x64xf32, #tpu.memory_space<hbm>>) target(%arg9 : memref<128x64xf32, #tpu.memory_space<vmem>>) offsets(%dma_start3A_609 : memref<128xi32, #tpu.memory_space<vmem>>) semaphore(%arg17 : memref<!tpu.dma_semaphore, #tpu.memory_space<semaphore_mem>>)
      } else {
      }
      %add3A_364 = arith.constant 4 : i32
      %add3A_365 = arith.addi %mul3A_128, %add3A_364 : i32
      %add3A_366 = arith.addi %mul3A_2, %add3A_365 : i32
      %shift_right_arithmetic3A_367 = arith.constant 7 : i32
      %shift_right_arithmetic3A_368 = arith.shrsi %add3A_366, %shift_right_arithmetic3A_367 : i32
      %dma_wait3A_369 = arith.constant 0 : i32
      %dma_wait3A_370 = tpu.memref_slice %arg5[%add3A_365, %dma_wait3A_369] : memref<104x128xi32, #tpu.memory_space<vmem>> -> memref<1x128xi32, #tpu.memory_space<vmem>>
      %dma_wait3A_371 = tpu.memref_squeeze %dma_wait3A_370 : memref<1x128xi32, #tpu.memory_space<vmem>> -> memref<128xi32, #tpu.memory_space<vmem>>
      %dma_wait3A_372 = arith.constant 0 : i32
      %dma_wait3A_373 = arith.constant 0 : i32
      %dma_wait3A_374 = tpu.memref_slice %arg2[%shift_right_arithmetic3A_368, %dma_wait3A_372, %dma_wait3A_373] : memref<26x100000x64xf32, #tpu.memory_space<hbm>> -> memref<1x100000x64xf32, #tpu.memory_space<hbm>>
      %dma_wait3A_375 = tpu.memref_squeeze %dma_wait3A_374 : memref<1x100000x64xf32, #tpu.memory_space<hbm>> -> memref<100000x64xf32, #tpu.memory_space<hbm>>
      %dma_wait3A_376 = arith.constant 0 : i32
      %dma_wait3A_377 = arith.constant 0 : i32
      %dma_wait3A_378 = tpu.memref_slice %dma_wait3A_375[%dma_wait3A_376, %dma_wait3A_377] : memref<100000x64xf32, #tpu.memory_space<hbm>> -> memref<100000x64xf32, #tpu.memory_space<hbm>>
      tpu.wait_indirect_dma semaphore(%arg18 : memref<!tpu.dma_semaphore, #tpu.memory_space<semaphore_mem>>) src(%dma_wait3A_378 : memref<100000x64xf32, #tpu.memory_space<hbm>>) dst(%arg10 : memref<128x64xf32, #tpu.memory_space<vmem>>)
      %add3A_379 = arith.addi %mul3A_2, %add3A_365 : i32
      %shift_right_arithmetic3A_380 = arith.constant 7 : i32
      %shift_right_arithmetic3A_381 = arith.shrsi %add3A_379, %shift_right_arithmetic3A_380 : i32
      %and3A_382 = arith.constant 127 : i32
      %and3A_383 = arith.andi %add3A_379, %and3A_382 : i32
      %mul3A_384 = arith.constant 128 : i32
      %mul3A_385 = arith.muli %and3A_383, %mul3A_384 : i32
      %dma_start3A_386 = arith.constant 0 : i32
      %dma_start3A_387 = arith.constant 0 : i32
      %dma_start3A_388 = tpu.memref_slice %arg4[%shift_right_arithmetic3A_381, %dma_start3A_386, %dma_start3A_387] : memref<26x16384x64xf32, #tpu.memory_space<hbm>> -> memref<1x16384x64xf32, #tpu.memory_space<hbm>>
      %dma_start3A_389 = tpu.memref_squeeze %dma_start3A_388 : memref<1x16384x64xf32, #tpu.memory_space<hbm>> -> memref<16384x64xf32, #tpu.memory_space<hbm>>
      %dma_start3A_390 = arith.constant 0 : i32
      %dma_start3A_391 = tpu.memref_slice %dma_start3A_389[%mul3A_385, %dma_start3A_390] : memref<16384x64xf32, #tpu.memory_space<hbm>> -> memref<128x64xf32, #tpu.memory_space<hbm>>
      %dma_start3A_392 = arith.constant 0 : i32
      %dma_start3A_393 = arith.constant 0 : i32
      %dma_start3A_394 = tpu.memref_slice %arg4[%shift_right_arithmetic3A_381, %dma_start3A_392, %dma_start3A_393] : memref<26x16384x64xf32, #tpu.memory_space<hbm>> -> memref<1x16384x64xf32, #tpu.memory_space<hbm>>
      %dma_start3A_395 = tpu.memref_squeeze %dma_start3A_394 : memref<1x16384x64xf32, #tpu.memory_space<hbm>> -> memref<16384x64xf32, #tpu.memory_space<hbm>>
      %dma_start3A_396 = arith.constant 0 : i32
      %dma_start3A_397 = tpu.memref_slice %dma_start3A_395[%mul3A_385, %dma_start3A_396] : memref<16384x64xf32, #tpu.memory_space<hbm>> -> memref<128x64xf32, #tpu.memory_space<hbm>>
      tpu.enqueue_dma source(%arg10 : memref<128x64xf32, #tpu.memory_space<vmem>>) target(%dma_start3A_397 : memref<128x64xf32, #tpu.memory_space<hbm>>) target_semaphore(%arg26 : memref<!tpu.dma_semaphore, #tpu.memory_space<semaphore_mem>>)
      %add3A_398 = arith.addi %mul3A_2, %add3A_365 : i32
      %shift_right_arithmetic3A_399 = arith.constant 7 : i32
      %shift_right_arithmetic3A_400 = arith.shrsi %add3A_398, %shift_right_arithmetic3A_399 : i32
      %and3A_401 = arith.constant 127 : i32
      %and3A_402 = arith.andi %add3A_398, %and3A_401 : i32
      %mul3A_403 = arith.constant 128 : i32
      %mul3A_404 = arith.muli %and3A_402, %mul3A_403 : i32
      %dma_wait3A_405 = arith.constant 0 : i32
      %dma_wait3A_406 = arith.constant 0 : i32
      %dma_wait3A_407 = tpu.memref_slice %arg4[%shift_right_arithmetic3A_400, %dma_wait3A_405, %dma_wait3A_406] : memref<26x16384x64xf32, #tpu.memory_space<hbm>> -> memref<1x16384x64xf32, #tpu.memory_space<hbm>>
      %dma_wait3A_408 = tpu.memref_squeeze %dma_wait3A_407 : memref<1x16384x64xf32, #tpu.memory_space<hbm>> -> memref<16384x64xf32, #tpu.memory_space<hbm>>
      %dma_wait3A_409 = arith.constant 0 : i32
      %dma_wait3A_410 = tpu.memref_slice %dma_wait3A_408[%mul3A_404, %dma_wait3A_409] : memref<16384x64xf32, #tpu.memory_space<hbm>> -> memref<128x64xf32, #tpu.memory_space<hbm>>
      %dma_wait3A_411 = arith.constant 0 : i32
      %dma_wait3A_412 = arith.constant 0 : i32
      %dma_wait3A_413 = tpu.memref_slice %arg4[%shift_right_arithmetic3A_400, %dma_wait3A_411, %dma_wait3A_412] : memref<26x16384x64xf32, #tpu.memory_space<hbm>> -> memref<1x16384x64xf32, #tpu.memory_space<hbm>>
      %dma_wait3A_414 = tpu.memref_squeeze %dma_wait3A_413 : memref<1x16384x64xf32, #tpu.memory_space<hbm>> -> memref<16384x64xf32, #tpu.memory_space<hbm>>
      %dma_wait3A_415 = arith.constant 0 : i32
      %dma_wait3A_416 = tpu.memref_slice %dma_wait3A_414[%mul3A_404, %dma_wait3A_415] : memref<16384x64xf32, #tpu.memory_space<hbm>> -> memref<128x64xf32, #tpu.memory_space<hbm>>
      tpu.wait_dma2 semaphore(%arg26 : memref<!tpu.dma_semaphore, #tpu.memory_space<semaphore_mem>>) src(%arg10 : memref<128x64xf32, #tpu.memory_space<vmem>>) dst(%dma_wait3A_416 : memref<128x64xf32, #tpu.memory_space<hbm>>)
      %add3A_417 = arith.constant 8 : i32
      %add3A_418 = arith.addi %add3A_365, %add3A_417 : i32
      %lt3A_419 = arith.constant 104 : i32
      %lt3A_420 = arith.cmpi slt, %add3A_418, %lt3A_419 : i32
      %convert_element_type3A_421 = arith.extui %lt3A_420 : i1 to i32
      %cond3A_422 = arith.constant 0 : i32
      %cond3A_423 = arith.cmpi ne, %convert_element_type3A_421, %cond3A_422 : i32
      scf.if %cond3A_423 {
        %add3A_604 = arith.addi %mul3A_2, %add3A_418 : i32
        %shift_right_arithmetic3A_605 = arith.constant 7 : i32
        %shift_right_arithmetic3A_606 = arith.shrsi %add3A_604, %shift_right_arithmetic3A_605 : i32
        %dma_start3A_607 = arith.constant 0 : i32
        %dma_start3A_608 = tpu.memref_slice %arg5[%add3A_418, %dma_start3A_607] : memref<104x128xi32, #tpu.memory_space<vmem>> -> memref<1x128xi32, #tpu.memory_space<vmem>>
        %dma_start3A_609 = tpu.memref_squeeze %dma_start3A_608 : memref<1x128xi32, #tpu.memory_space<vmem>> -> memref<128xi32, #tpu.memory_space<vmem>>
        %dma_start3A_610 = arith.constant 0 : i32
        %dma_start3A_611 = arith.constant 0 : i32
        %dma_start3A_612 = tpu.memref_slice %arg2[%shift_right_arithmetic3A_606, %dma_start3A_610, %dma_start3A_611] : memref<26x100000x64xf32, #tpu.memory_space<hbm>> -> memref<1x100000x64xf32, #tpu.memory_space<hbm>>
        %dma_start3A_613 = tpu.memref_squeeze %dma_start3A_612 : memref<1x100000x64xf32, #tpu.memory_space<hbm>> -> memref<100000x64xf32, #tpu.memory_space<hbm>>
        %dma_start3A_614 = arith.constant 0 : i32
        %dma_start3A_615 = arith.constant 0 : i32
        %dma_start3A_616 = tpu.memref_slice %dma_start3A_613[%dma_start3A_614, %dma_start3A_615] : memref<100000x64xf32, #tpu.memory_space<hbm>> -> memref<100000x64xf32, #tpu.memory_space<hbm>>
        tpu.enqueue_indirect_dma source(%dma_start3A_616 : memref<100000x64xf32, #tpu.memory_space<hbm>>) target(%arg10 : memref<128x64xf32, #tpu.memory_space<vmem>>) offsets(%dma_start3A_609 : memref<128xi32, #tpu.memory_space<vmem>>) semaphore(%arg18 : memref<!tpu.dma_semaphore, #tpu.memory_space<semaphore_mem>>)
      } else {
      }
      %add3A_424 = arith.constant 5 : i32
      %add3A_425 = arith.addi %mul3A_128, %add3A_424 : i32
      %add3A_426 = arith.addi %mul3A_2, %add3A_425 : i32
      %shift_right_arithmetic3A_427 = arith.constant 7 : i32
      %shift_right_arithmetic3A_428 = arith.shrsi %add3A_426, %shift_right_arithmetic3A_427 : i32
      %dma_wait3A_429 = arith.constant 0 : i32
      %dma_wait3A_430 = tpu.memref_slice %arg5[%add3A_425, %dma_wait3A_429] : memref<104x128xi32, #tpu.memory_space<vmem>> -> memref<1x128xi32, #tpu.memory_space<vmem>>
      %dma_wait3A_431 = tpu.memref_squeeze %dma_wait3A_430 : memref<1x128xi32, #tpu.memory_space<vmem>> -> memref<128xi32, #tpu.memory_space<vmem>>
      %dma_wait3A_432 = arith.constant 0 : i32
      %dma_wait3A_433 = arith.constant 0 : i32
      %dma_wait3A_434 = tpu.memref_slice %arg2[%shift_right_arithmetic3A_428, %dma_wait3A_432, %dma_wait3A_433] : memref<26x100000x64xf32, #tpu.memory_space<hbm>> -> memref<1x100000x64xf32, #tpu.memory_space<hbm>>
      %dma_wait3A_435 = tpu.memref_squeeze %dma_wait3A_434 : memref<1x100000x64xf32, #tpu.memory_space<hbm>> -> memref<100000x64xf32, #tpu.memory_space<hbm>>
      %dma_wait3A_436 = arith.constant 0 : i32
      %dma_wait3A_437 = arith.constant 0 : i32
      %dma_wait3A_438 = tpu.memref_slice %dma_wait3A_435[%dma_wait3A_436, %dma_wait3A_437] : memref<100000x64xf32, #tpu.memory_space<hbm>> -> memref<100000x64xf32, #tpu.memory_space<hbm>>
      tpu.wait_indirect_dma semaphore(%arg19 : memref<!tpu.dma_semaphore, #tpu.memory_space<semaphore_mem>>) src(%dma_wait3A_438 : memref<100000x64xf32, #tpu.memory_space<hbm>>) dst(%arg11 : memref<128x64xf32, #tpu.memory_space<vmem>>)
      %add3A_439 = arith.addi %mul3A_2, %add3A_425 : i32
      %shift_right_arithmetic3A_440 = arith.constant 7 : i32
      %shift_right_arithmetic3A_441 = arith.shrsi %add3A_439, %shift_right_arithmetic3A_440 : i32
      %and3A_442 = arith.constant 127 : i32
      %and3A_443 = arith.andi %add3A_439, %and3A_442 : i32
      %mul3A_444 = arith.constant 128 : i32
      %mul3A_445 = arith.muli %and3A_443, %mul3A_444 : i32
      %dma_start3A_446 = arith.constant 0 : i32
      %dma_start3A_447 = arith.constant 0 : i32
      %dma_start3A_448 = tpu.memref_slice %arg4[%shift_right_arithmetic3A_441, %dma_start3A_446, %dma_start3A_447] : memref<26x16384x64xf32, #tpu.memory_space<hbm>> -> memref<1x16384x64xf32, #tpu.memory_space<hbm>>
      %dma_start3A_449 = tpu.memref_squeeze %dma_start3A_448 : memref<1x16384x64xf32, #tpu.memory_space<hbm>> -> memref<16384x64xf32, #tpu.memory_space<hbm>>
      %dma_start3A_450 = arith.constant 0 : i32
      %dma_start3A_451 = tpu.memref_slice %dma_start3A_449[%mul3A_445, %dma_start3A_450] : memref<16384x64xf32, #tpu.memory_space<hbm>> -> memref<128x64xf32, #tpu.memory_space<hbm>>
      %dma_start3A_452 = arith.constant 0 : i32
      %dma_start3A_453 = arith.constant 0 : i32
      %dma_start3A_454 = tpu.memref_slice %arg4[%shift_right_arithmetic3A_441, %dma_start3A_452, %dma_start3A_453] : memref<26x16384x64xf32, #tpu.memory_space<hbm>> -> memref<1x16384x64xf32, #tpu.memory_space<hbm>>
      %dma_start3A_455 = tpu.memref_squeeze %dma_start3A_454 : memref<1x16384x64xf32, #tpu.memory_space<hbm>> -> memref<16384x64xf32, #tpu.memory_space<hbm>>
      %dma_start3A_456 = arith.constant 0 : i32
      %dma_start3A_457 = tpu.memref_slice %dma_start3A_455[%mul3A_445, %dma_start3A_456] : memref<16384x64xf32, #tpu.memory_space<hbm>> -> memref<128x64xf32, #tpu.memory_space<hbm>>
      tpu.enqueue_dma source(%arg11 : memref<128x64xf32, #tpu.memory_space<vmem>>) target(%dma_start3A_457 : memref<128x64xf32, #tpu.memory_space<hbm>>) target_semaphore(%arg27 : memref<!tpu.dma_semaphore, #tpu.memory_space<semaphore_mem>>)
      %add3A_458 = arith.addi %mul3A_2, %add3A_425 : i32
      %shift_right_arithmetic3A_459 = arith.constant 7 : i32
      %shift_right_arithmetic3A_460 = arith.shrsi %add3A_458, %shift_right_arithmetic3A_459 : i32
      %and3A_461 = arith.constant 127 : i32
      %and3A_462 = arith.andi %add3A_458, %and3A_461 : i32
      %mul3A_463 = arith.constant 128 : i32
      %mul3A_464 = arith.muli %and3A_462, %mul3A_463 : i32
      %dma_wait3A_465 = arith.constant 0 : i32
      %dma_wait3A_466 = arith.constant 0 : i32
      %dma_wait3A_467 = tpu.memref_slice %arg4[%shift_right_arithmetic3A_460, %dma_wait3A_465, %dma_wait3A_466] : memref<26x16384x64xf32, #tpu.memory_space<hbm>> -> memref<1x16384x64xf32, #tpu.memory_space<hbm>>
      %dma_wait3A_468 = tpu.memref_squeeze %dma_wait3A_467 : memref<1x16384x64xf32, #tpu.memory_space<hbm>> -> memref<16384x64xf32, #tpu.memory_space<hbm>>
      %dma_wait3A_469 = arith.constant 0 : i32
      %dma_wait3A_470 = tpu.memref_slice %dma_wait3A_468[%mul3A_464, %dma_wait3A_469] : memref<16384x64xf32, #tpu.memory_space<hbm>> -> memref<128x64xf32, #tpu.memory_space<hbm>>
      %dma_wait3A_471 = arith.constant 0 : i32
      %dma_wait3A_472 = arith.constant 0 : i32
      %dma_wait3A_473 = tpu.memref_slice %arg4[%shift_right_arithmetic3A_460, %dma_wait3A_471, %dma_wait3A_472] : memref<26x16384x64xf32, #tpu.memory_space<hbm>> -> memref<1x16384x64xf32, #tpu.memory_space<hbm>>
      %dma_wait3A_474 = tpu.memref_squeeze %dma_wait3A_473 : memref<1x16384x64xf32, #tpu.memory_space<hbm>> -> memref<16384x64xf32, #tpu.memory_space<hbm>>
      %dma_wait3A_475 = arith.constant 0 : i32
      %dma_wait3A_476 = tpu.memref_slice %dma_wait3A_474[%mul3A_464, %dma_wait3A_475] : memref<16384x64xf32, #tpu.memory_space<hbm>> -> memref<128x64xf32, #tpu.memory_space<hbm>>
      tpu.wait_dma2 semaphore(%arg27 : memref<!tpu.dma_semaphore, #tpu.memory_space<semaphore_mem>>) src(%arg11 : memref<128x64xf32, #tpu.memory_space<vmem>>) dst(%dma_wait3A_476 : memref<128x64xf32, #tpu.memory_space<hbm>>)
      %add3A_477 = arith.constant 8 : i32
      %add3A_478 = arith.addi %add3A_425, %add3A_477 : i32
      %lt3A_479 = arith.constant 104 : i32
      %lt3A_480 = arith.cmpi slt, %add3A_478, %lt3A_479 : i32
      %convert_element_type3A_481 = arith.extui %lt3A_480 : i1 to i32
      %cond3A_482 = arith.constant 0 : i32
      %cond3A_483 = arith.cmpi ne, %convert_element_type3A_481, %cond3A_482 : i32
      scf.if %cond3A_483 {
        %add3A_604 = arith.addi %mul3A_2, %add3A_478 : i32
        %shift_right_arithmetic3A_605 = arith.constant 7 : i32
        %shift_right_arithmetic3A_606 = arith.shrsi %add3A_604, %shift_right_arithmetic3A_605 : i32
        %dma_start3A_607 = arith.constant 0 : i32
        %dma_start3A_608 = tpu.memref_slice %arg5[%add3A_478, %dma_start3A_607] : memref<104x128xi32, #tpu.memory_space<vmem>> -> memref<1x128xi32, #tpu.memory_space<vmem>>
        %dma_start3A_609 = tpu.memref_squeeze %dma_start3A_608 : memref<1x128xi32, #tpu.memory_space<vmem>> -> memref<128xi32, #tpu.memory_space<vmem>>
        %dma_start3A_610 = arith.constant 0 : i32
        %dma_start3A_611 = arith.constant 0 : i32
        %dma_start3A_612 = tpu.memref_slice %arg2[%shift_right_arithmetic3A_606, %dma_start3A_610, %dma_start3A_611] : memref<26x100000x64xf32, #tpu.memory_space<hbm>> -> memref<1x100000x64xf32, #tpu.memory_space<hbm>>
        %dma_start3A_613 = tpu.memref_squeeze %dma_start3A_612 : memref<1x100000x64xf32, #tpu.memory_space<hbm>> -> memref<100000x64xf32, #tpu.memory_space<hbm>>
        %dma_start3A_614 = arith.constant 0 : i32
        %dma_start3A_615 = arith.constant 0 : i32
        %dma_start3A_616 = tpu.memref_slice %dma_start3A_613[%dma_start3A_614, %dma_start3A_615] : memref<100000x64xf32, #tpu.memory_space<hbm>> -> memref<100000x64xf32, #tpu.memory_space<hbm>>
        tpu.enqueue_indirect_dma source(%dma_start3A_616 : memref<100000x64xf32, #tpu.memory_space<hbm>>) target(%arg11 : memref<128x64xf32, #tpu.memory_space<vmem>>) offsets(%dma_start3A_609 : memref<128xi32, #tpu.memory_space<vmem>>) semaphore(%arg19 : memref<!tpu.dma_semaphore, #tpu.memory_space<semaphore_mem>>)
      } else {
      }
      %add3A_484 = arith.constant 6 : i32
      %add3A_485 = arith.addi %mul3A_128, %add3A_484 : i32
      %add3A_486 = arith.addi %mul3A_2, %add3A_485 : i32
      %shift_right_arithmetic3A_487 = arith.constant 7 : i32
      %shift_right_arithmetic3A_488 = arith.shrsi %add3A_486, %shift_right_arithmetic3A_487 : i32
      %dma_wait3A_489 = arith.constant 0 : i32
      %dma_wait3A_490 = tpu.memref_slice %arg5[%add3A_485, %dma_wait3A_489] : memref<104x128xi32, #tpu.memory_space<vmem>> -> memref<1x128xi32, #tpu.memory_space<vmem>>
      %dma_wait3A_491 = tpu.memref_squeeze %dma_wait3A_490 : memref<1x128xi32, #tpu.memory_space<vmem>> -> memref<128xi32, #tpu.memory_space<vmem>>
      %dma_wait3A_492 = arith.constant 0 : i32
      %dma_wait3A_493 = arith.constant 0 : i32
      %dma_wait3A_494 = tpu.memref_slice %arg2[%shift_right_arithmetic3A_488, %dma_wait3A_492, %dma_wait3A_493] : memref<26x100000x64xf32, #tpu.memory_space<hbm>> -> memref<1x100000x64xf32, #tpu.memory_space<hbm>>
      %dma_wait3A_495 = tpu.memref_squeeze %dma_wait3A_494 : memref<1x100000x64xf32, #tpu.memory_space<hbm>> -> memref<100000x64xf32, #tpu.memory_space<hbm>>
      %dma_wait3A_496 = arith.constant 0 : i32
      %dma_wait3A_497 = arith.constant 0 : i32
      %dma_wait3A_498 = tpu.memref_slice %dma_wait3A_495[%dma_wait3A_496, %dma_wait3A_497] : memref<100000x64xf32, #tpu.memory_space<hbm>> -> memref<100000x64xf32, #tpu.memory_space<hbm>>
      tpu.wait_indirect_dma semaphore(%arg20 : memref<!tpu.dma_semaphore, #tpu.memory_space<semaphore_mem>>) src(%dma_wait3A_498 : memref<100000x64xf32, #tpu.memory_space<hbm>>) dst(%arg12 : memref<128x64xf32, #tpu.memory_space<vmem>>)
      %add3A_499 = arith.addi %mul3A_2, %add3A_485 : i32
      %shift_right_arithmetic3A_500 = arith.constant 7 : i32
      %shift_right_arithmetic3A_501 = arith.shrsi %add3A_499, %shift_right_arithmetic3A_500 : i32
      %and3A_502 = arith.constant 127 : i32
      %and3A_503 = arith.andi %add3A_499, %and3A_502 : i32
      %mul3A_504 = arith.constant 128 : i32
      %mul3A_505 = arith.muli %and3A_503, %mul3A_504 : i32
      %dma_start3A_506 = arith.constant 0 : i32
      %dma_start3A_507 = arith.constant 0 : i32
      %dma_start3A_508 = tpu.memref_slice %arg4[%shift_right_arithmetic3A_501, %dma_start3A_506, %dma_start3A_507] : memref<26x16384x64xf32, #tpu.memory_space<hbm>> -> memref<1x16384x64xf32, #tpu.memory_space<hbm>>
      %dma_start3A_509 = tpu.memref_squeeze %dma_start3A_508 : memref<1x16384x64xf32, #tpu.memory_space<hbm>> -> memref<16384x64xf32, #tpu.memory_space<hbm>>
      %dma_start3A_510 = arith.constant 0 : i32
      %dma_start3A_511 = tpu.memref_slice %dma_start3A_509[%mul3A_505, %dma_start3A_510] : memref<16384x64xf32, #tpu.memory_space<hbm>> -> memref<128x64xf32, #tpu.memory_space<hbm>>
      %dma_start3A_512 = arith.constant 0 : i32
      %dma_start3A_513 = arith.constant 0 : i32
      %dma_start3A_514 = tpu.memref_slice %arg4[%shift_right_arithmetic3A_501, %dma_start3A_512, %dma_start3A_513] : memref<26x16384x64xf32, #tpu.memory_space<hbm>> -> memref<1x16384x64xf32, #tpu.memory_space<hbm>>
      %dma_start3A_515 = tpu.memref_squeeze %dma_start3A_514 : memref<1x16384x64xf32, #tpu.memory_space<hbm>> -> memref<16384x64xf32, #tpu.memory_space<hbm>>
      %dma_start3A_516 = arith.constant 0 : i32
      %dma_start3A_517 = tpu.memref_slice %dma_start3A_515[%mul3A_505, %dma_start3A_516] : memref<16384x64xf32, #tpu.memory_space<hbm>> -> memref<128x64xf32, #tpu.memory_space<hbm>>
      tpu.enqueue_dma source(%arg12 : memref<128x64xf32, #tpu.memory_space<vmem>>) target(%dma_start3A_517 : memref<128x64xf32, #tpu.memory_space<hbm>>) target_semaphore(%arg28 : memref<!tpu.dma_semaphore, #tpu.memory_space<semaphore_mem>>)
      %add3A_518 = arith.addi %mul3A_2, %add3A_485 : i32
      %shift_right_arithmetic3A_519 = arith.constant 7 : i32
      %shift_right_arithmetic3A_520 = arith.shrsi %add3A_518, %shift_right_arithmetic3A_519 : i32
      %and3A_521 = arith.constant 127 : i32
      %and3A_522 = arith.andi %add3A_518, %and3A_521 : i32
      %mul3A_523 = arith.constant 128 : i32
      %mul3A_524 = arith.muli %and3A_522, %mul3A_523 : i32
      %dma_wait3A_525 = arith.constant 0 : i32
      %dma_wait3A_526 = arith.constant 0 : i32
      %dma_wait3A_527 = tpu.memref_slice %arg4[%shift_right_arithmetic3A_520, %dma_wait3A_525, %dma_wait3A_526] : memref<26x16384x64xf32, #tpu.memory_space<hbm>> -> memref<1x16384x64xf32, #tpu.memory_space<hbm>>
      %dma_wait3A_528 = tpu.memref_squeeze %dma_wait3A_527 : memref<1x16384x64xf32, #tpu.memory_space<hbm>> -> memref<16384x64xf32, #tpu.memory_space<hbm>>
      %dma_wait3A_529 = arith.constant 0 : i32
      %dma_wait3A_530 = tpu.memref_slice %dma_wait3A_528[%mul3A_524, %dma_wait3A_529] : memref<16384x64xf32, #tpu.memory_space<hbm>> -> memref<128x64xf32, #tpu.memory_space<hbm>>
      %dma_wait3A_531 = arith.constant 0 : i32
      %dma_wait3A_532 = arith.constant 0 : i32
      %dma_wait3A_533 = tpu.memref_slice %arg4[%shift_right_arithmetic3A_520, %dma_wait3A_531, %dma_wait3A_532] : memref<26x16384x64xf32, #tpu.memory_space<hbm>> -> memref<1x16384x64xf32, #tpu.memory_space<hbm>>
      %dma_wait3A_534 = tpu.memref_squeeze %dma_wait3A_533 : memref<1x16384x64xf32, #tpu.memory_space<hbm>> -> memref<16384x64xf32, #tpu.memory_space<hbm>>
      %dma_wait3A_535 = arith.constant 0 : i32
      %dma_wait3A_536 = tpu.memref_slice %dma_wait3A_534[%mul3A_524, %dma_wait3A_535] : memref<16384x64xf32, #tpu.memory_space<hbm>> -> memref<128x64xf32, #tpu.memory_space<hbm>>
      tpu.wait_dma2 semaphore(%arg28 : memref<!tpu.dma_semaphore, #tpu.memory_space<semaphore_mem>>) src(%arg12 : memref<128x64xf32, #tpu.memory_space<vmem>>) dst(%dma_wait3A_536 : memref<128x64xf32, #tpu.memory_space<hbm>>)
      %add3A_537 = arith.constant 8 : i32
      %add3A_538 = arith.addi %add3A_485, %add3A_537 : i32
      %lt3A_539 = arith.constant 104 : i32
      %lt3A_540 = arith.cmpi slt, %add3A_538, %lt3A_539 : i32
      %convert_element_type3A_541 = arith.extui %lt3A_540 : i1 to i32
      %cond3A_542 = arith.constant 0 : i32
      %cond3A_543 = arith.cmpi ne, %convert_element_type3A_541, %cond3A_542 : i32
      scf.if %cond3A_543 {
        %add3A_604 = arith.addi %mul3A_2, %add3A_538 : i32
        %shift_right_arithmetic3A_605 = arith.constant 7 : i32
        %shift_right_arithmetic3A_606 = arith.shrsi %add3A_604, %shift_right_arithmetic3A_605 : i32
        %dma_start3A_607 = arith.constant 0 : i32
        %dma_start3A_608 = tpu.memref_slice %arg5[%add3A_538, %dma_start3A_607] : memref<104x128xi32, #tpu.memory_space<vmem>> -> memref<1x128xi32, #tpu.memory_space<vmem>>
        %dma_start3A_609 = tpu.memref_squeeze %dma_start3A_608 : memref<1x128xi32, #tpu.memory_space<vmem>> -> memref<128xi32, #tpu.memory_space<vmem>>
        %dma_start3A_610 = arith.constant 0 : i32
        %dma_start3A_611 = arith.constant 0 : i32
        %dma_start3A_612 = tpu.memref_slice %arg2[%shift_right_arithmetic3A_606, %dma_start3A_610, %dma_start3A_611] : memref<26x100000x64xf32, #tpu.memory_space<hbm>> -> memref<1x100000x64xf32, #tpu.memory_space<hbm>>
        %dma_start3A_613 = tpu.memref_squeeze %dma_start3A_612 : memref<1x100000x64xf32, #tpu.memory_space<hbm>> -> memref<100000x64xf32, #tpu.memory_space<hbm>>
        %dma_start3A_614 = arith.constant 0 : i32
        %dma_start3A_615 = arith.constant 0 : i32
        %dma_start3A_616 = tpu.memref_slice %dma_start3A_613[%dma_start3A_614, %dma_start3A_615] : memref<100000x64xf32, #tpu.memory_space<hbm>> -> memref<100000x64xf32, #tpu.memory_space<hbm>>
        tpu.enqueue_indirect_dma source(%dma_start3A_616 : memref<100000x64xf32, #tpu.memory_space<hbm>>) target(%arg12 : memref<128x64xf32, #tpu.memory_space<vmem>>) offsets(%dma_start3A_609 : memref<128xi32, #tpu.memory_space<vmem>>) semaphore(%arg20 : memref<!tpu.dma_semaphore, #tpu.memory_space<semaphore_mem>>)
      } else {
      }
      %add3A_544 = arith.constant 7 : i32
      %add3A_545 = arith.addi %mul3A_128, %add3A_544 : i32
      %add3A_546 = arith.addi %mul3A_2, %add3A_545 : i32
      %shift_right_arithmetic3A_547 = arith.constant 7 : i32
      %shift_right_arithmetic3A_548 = arith.shrsi %add3A_546, %shift_right_arithmetic3A_547 : i32
      %dma_wait3A_549 = arith.constant 0 : i32
      %dma_wait3A_550 = tpu.memref_slice %arg5[%add3A_545, %dma_wait3A_549] : memref<104x128xi32, #tpu.memory_space<vmem>> -> memref<1x128xi32, #tpu.memory_space<vmem>>
      %dma_wait3A_551 = tpu.memref_squeeze %dma_wait3A_550 : memref<1x128xi32, #tpu.memory_space<vmem>> -> memref<128xi32, #tpu.memory_space<vmem>>
      %dma_wait3A_552 = arith.constant 0 : i32
      %dma_wait3A_553 = arith.constant 0 : i32
      %dma_wait3A_554 = tpu.memref_slice %arg2[%shift_right_arithmetic3A_548, %dma_wait3A_552, %dma_wait3A_553] : memref<26x100000x64xf32, #tpu.memory_space<hbm>> -> memref<1x100000x64xf32, #tpu.memory_space<hbm>>
      %dma_wait3A_555 = tpu.memref_squeeze %dma_wait3A_554 : memref<1x100000x64xf32, #tpu.memory_space<hbm>> -> memref<100000x64xf32, #tpu.memory_space<hbm>>
      %dma_wait3A_556 = arith.constant 0 : i32
      %dma_wait3A_557 = arith.constant 0 : i32
      %dma_wait3A_558 = tpu.memref_slice %dma_wait3A_555[%dma_wait3A_556, %dma_wait3A_557] : memref<100000x64xf32, #tpu.memory_space<hbm>> -> memref<100000x64xf32, #tpu.memory_space<hbm>>
      tpu.wait_indirect_dma semaphore(%arg21 : memref<!tpu.dma_semaphore, #tpu.memory_space<semaphore_mem>>) src(%dma_wait3A_558 : memref<100000x64xf32, #tpu.memory_space<hbm>>) dst(%arg13 : memref<128x64xf32, #tpu.memory_space<vmem>>)
      %add3A_559 = arith.addi %mul3A_2, %add3A_545 : i32
      %shift_right_arithmetic3A_560 = arith.constant 7 : i32
      %shift_right_arithmetic3A_561 = arith.shrsi %add3A_559, %shift_right_arithmetic3A_560 : i32
      %and3A_562 = arith.constant 127 : i32
      %and3A_563 = arith.andi %add3A_559, %and3A_562 : i32
      %mul3A_564 = arith.constant 128 : i32
      %mul3A_565 = arith.muli %and3A_563, %mul3A_564 : i32
      %dma_start3A_566 = arith.constant 0 : i32
      %dma_start3A_567 = arith.constant 0 : i32
      %dma_start3A_568 = tpu.memref_slice %arg4[%shift_right_arithmetic3A_561, %dma_start3A_566, %dma_start3A_567] : memref<26x16384x64xf32, #tpu.memory_space<hbm>> -> memref<1x16384x64xf32, #tpu.memory_space<hbm>>
      %dma_start3A_569 = tpu.memref_squeeze %dma_start3A_568 : memref<1x16384x64xf32, #tpu.memory_space<hbm>> -> memref<16384x64xf32, #tpu.memory_space<hbm>>
      %dma_start3A_570 = arith.constant 0 : i32
      %dma_start3A_571 = tpu.memref_slice %dma_start3A_569[%mul3A_565, %dma_start3A_570] : memref<16384x64xf32, #tpu.memory_space<hbm>> -> memref<128x64xf32, #tpu.memory_space<hbm>>
      %dma_start3A_572 = arith.constant 0 : i32
      %dma_start3A_573 = arith.constant 0 : i32
      %dma_start3A_574 = tpu.memref_slice %arg4[%shift_right_arithmetic3A_561, %dma_start3A_572, %dma_start3A_573] : memref<26x16384x64xf32, #tpu.memory_space<hbm>> -> memref<1x16384x64xf32, #tpu.memory_space<hbm>>
      %dma_start3A_575 = tpu.memref_squeeze %dma_start3A_574 : memref<1x16384x64xf32, #tpu.memory_space<hbm>> -> memref<16384x64xf32, #tpu.memory_space<hbm>>
      %dma_start3A_576 = arith.constant 0 : i32
      %dma_start3A_577 = tpu.memref_slice %dma_start3A_575[%mul3A_565, %dma_start3A_576] : memref<16384x64xf32, #tpu.memory_space<hbm>> -> memref<128x64xf32, #tpu.memory_space<hbm>>
      tpu.enqueue_dma source(%arg13 : memref<128x64xf32, #tpu.memory_space<vmem>>) target(%dma_start3A_577 : memref<128x64xf32, #tpu.memory_space<hbm>>) target_semaphore(%arg29 : memref<!tpu.dma_semaphore, #tpu.memory_space<semaphore_mem>>)
      %add3A_578 = arith.addi %mul3A_2, %add3A_545 : i32
      %shift_right_arithmetic3A_579 = arith.constant 7 : i32
      %shift_right_arithmetic3A_580 = arith.shrsi %add3A_578, %shift_right_arithmetic3A_579 : i32
      %and3A_581 = arith.constant 127 : i32
      %and3A_582 = arith.andi %add3A_578, %and3A_581 : i32
      %mul3A_583 = arith.constant 128 : i32
      %mul3A_584 = arith.muli %and3A_582, %mul3A_583 : i32
      %dma_wait3A_585 = arith.constant 0 : i32
      %dma_wait3A_586 = arith.constant 0 : i32
      %dma_wait3A_587 = tpu.memref_slice %arg4[%shift_right_arithmetic3A_580, %dma_wait3A_585, %dma_wait3A_586] : memref<26x16384x64xf32, #tpu.memory_space<hbm>> -> memref<1x16384x64xf32, #tpu.memory_space<hbm>>
      %dma_wait3A_588 = tpu.memref_squeeze %dma_wait3A_587 : memref<1x16384x64xf32, #tpu.memory_space<hbm>> -> memref<16384x64xf32, #tpu.memory_space<hbm>>
      %dma_wait3A_589 = arith.constant 0 : i32
      %dma_wait3A_590 = tpu.memref_slice %dma_wait3A_588[%mul3A_584, %dma_wait3A_589] : memref<16384x64xf32, #tpu.memory_space<hbm>> -> memref<128x64xf32, #tpu.memory_space<hbm>>
      %dma_wait3A_591 = arith.constant 0 : i32
      %dma_wait3A_592 = arith.constant 0 : i32
      %dma_wait3A_593 = tpu.memref_slice %arg4[%shift_right_arithmetic3A_580, %dma_wait3A_591, %dma_wait3A_592] : memref<26x16384x64xf32, #tpu.memory_space<hbm>> -> memref<1x16384x64xf32, #tpu.memory_space<hbm>>
      %dma_wait3A_594 = tpu.memref_squeeze %dma_wait3A_593 : memref<1x16384x64xf32, #tpu.memory_space<hbm>> -> memref<16384x64xf32, #tpu.memory_space<hbm>>
      %dma_wait3A_595 = arith.constant 0 : i32
      %dma_wait3A_596 = tpu.memref_slice %dma_wait3A_594[%mul3A_584, %dma_wait3A_595] : memref<16384x64xf32, #tpu.memory_space<hbm>> -> memref<128x64xf32, #tpu.memory_space<hbm>>
      tpu.wait_dma2 semaphore(%arg29 : memref<!tpu.dma_semaphore, #tpu.memory_space<semaphore_mem>>) src(%arg13 : memref<128x64xf32, #tpu.memory_space<vmem>>) dst(%dma_wait3A_596 : memref<128x64xf32, #tpu.memory_space<hbm>>)
      %add3A_597 = arith.constant 8 : i32
      %add3A_598 = arith.addi %add3A_545, %add3A_597 : i32
      %lt3A_599 = arith.constant 104 : i32
      %lt3A_600 = arith.cmpi slt, %add3A_598, %lt3A_599 : i32
      %convert_element_type3A_601 = arith.extui %lt3A_600 : i1 to i32
      %cond3A_602 = arith.constant 0 : i32
      %cond3A_603 = arith.cmpi ne, %convert_element_type3A_601, %cond3A_602 : i32
      scf.if %cond3A_603 {
        %add3A_604 = arith.addi %mul3A_2, %add3A_598 : i32
        %shift_right_arithmetic3A_605 = arith.constant 7 : i32
        %shift_right_arithmetic3A_606 = arith.shrsi %add3A_604, %shift_right_arithmetic3A_605 : i32
        %dma_start3A_607 = arith.constant 0 : i32
        %dma_start3A_608 = tpu.memref_slice %arg5[%add3A_598, %dma_start3A_607] : memref<104x128xi32, #tpu.memory_space<vmem>> -> memref<1x128xi32, #tpu.memory_space<vmem>>
        %dma_start3A_609 = tpu.memref_squeeze %dma_start3A_608 : memref<1x128xi32, #tpu.memory_space<vmem>> -> memref<128xi32, #tpu.memory_space<vmem>>
        %dma_start3A_610 = arith.constant 0 : i32
        %dma_start3A_611 = arith.constant 0 : i32
        %dma_start3A_612 = tpu.memref_slice %arg2[%shift_right_arithmetic3A_606, %dma_start3A_610, %dma_start3A_611] : memref<26x100000x64xf32, #tpu.memory_space<hbm>> -> memref<1x100000x64xf32, #tpu.memory_space<hbm>>
        %dma_start3A_613 = tpu.memref_squeeze %dma_start3A_612 : memref<1x100000x64xf32, #tpu.memory_space<hbm>> -> memref<100000x64xf32, #tpu.memory_space<hbm>>
        %dma_start3A_614 = arith.constant 0 : i32
        %dma_start3A_615 = arith.constant 0 : i32
        %dma_start3A_616 = tpu.memref_slice %dma_start3A_613[%dma_start3A_614, %dma_start3A_615] : memref<100000x64xf32, #tpu.memory_space<hbm>> -> memref<100000x64xf32, #tpu.memory_space<hbm>>
        tpu.enqueue_indirect_dma source(%dma_start3A_616 : memref<100000x64xf32, #tpu.memory_space<hbm>>) target(%arg13 : memref<128x64xf32, #tpu.memory_space<vmem>>) offsets(%dma_start3A_609 : memref<128xi32, #tpu.memory_space<vmem>>) semaphore(%arg21 : memref<!tpu.dma_semaphore, #tpu.memory_space<semaphore_mem>>)
      } else {
      }
    }
    %scan3A_125 = arith.constant 13 : i32
    return
  }
}

</mosaic_0001>

<sc_bundles>
// kernel: kernel.3.cloned.1.call-start
scs
__scs_entry_jumppad:
0x0: {  	(pc) =	sbr.rel $0x88, $3  }
0x1: {  	(tag) =	ssettag $0x0;
	lr =	simm.s32 $0x1  }
0x2: {  	[smem:$0x3F9F] =	sst lr;
	_ =	strace $0xD0000000  }
0x3: {  	_ = 	snop  }
0x4: {  	_ = 	snop  }
0x5: {  	_ = 	snop  }
0x6: {  	_ = 	snop  }
0x7: {  	_ = 	snop  }
__scs_overlays_trampoline_lowered:
0x8: {  	[smem:$0x3FAE] =	sst s0  }
0x9: {  	[smem:$0x3FAF] =	sst s1  }
0xa: {  	[smem:$0x3FB0] =	sst s2  }
0xb: {  	[smem:$0x3FB1] =	sst s3  }
0xc: {  	[smem:$0x3FB2] =	sst s4  }
0xd: {  	[smem:$0x3FB3] =	sst s5  }
0xe: {  	[smem:$0x3FB4] =	sst s6  }
0xf: {  	[smem:$0x3FB5] =	sst s7  }
0x10: {  	[smem:$0x3FB6] =	sst s8  }
0x11: {  	[smem:$0x3FB7] =	sst s9;
	s0 =	simm.s32 @!p0 $0x0  }
0x12: {  	s1 =	sld [smem:$0x3F9D];
	s0 =	simm.s32 @p0 $0x1  }
0x13: {  	[smem:$0x3FB8] =	sst s0;
	s0 =	simm.s32 @!p1 $0x0  }
0x14: {  	s2 =	sld [smem:$0x3F9C];
	s0 =	simm.s32 @p1 $0x1  }
0x15: {  	[smem:$0x3FB9] =	sst s0;
	s0 =	simm.s32 @!p2 $0x0  }
0x16: {  	s3 =	sld [smem:$0x3FDB];
	s0 =	simm.s32 @p2 $0x1  }
0x17: {  	s4 =	simm.s32 $0x1BF5;
	[smem:$0x3FBB] =	sst s0  }
0x18: {  	s0 =	sld [smem:$0x3F9E];
	_ =	swait.ge [sflag:s4], $0x0  }
0x19: {  	s7 =	sld [smem:$0x3F9F]  }
0x1a: {  	s8 =	sadd.s32 $0xFFFFE003, lr  }
0x1b: {  	s9 =	sadd.s32 $0xFFFFFEF7, lr;
	s5 =	simm.s32 $0xFFFFFFFF;
	p2 =	slt.u32 s8, $0xFFFFF086  }
0x1c: {  	p1 =	slt.u32 s9, $0xF7A;
	s5 =	simm.s32 @!p2 $0x0  }
0x1d: {  	s5 =	simm.s32 @p1 $0x1;
	p0 =	seq.s32 s7, s2  }
0x1e: {  	s7 =	smul.u32 @!p0 $0xF7A, s2;
	p2 =	seq.s32 @!p0 s5, $0x0  }
0x1f: {  	s9 =	smul.u32 $0xF7A, s1;
	s8 =	simm.s32 @!p0 $0x1BF5;
	p2 =	por !p2, p0  }
0x20: {  	[sflag:s8] =	ssyncset.s32 @!p0 $0xFFFFF086;
	s6 =	sadd.s32 @!p0 s3, s7;
	s7 =	simm.s32 @!p0 $0x108  }
0x21: {  	s3 =	sadd.s32 s3, s9;
	s6 =	sadd.s32 @!p0 $0x88, s6;
	s7 =	simm.s32 @p2 $0x1082  }
0x22: {  	[simem:s7], [sflag:s8] =	dma.local @!p0 [hbm:s6], $0xF7A  }
0x23: {  	s9 =	sor.u32 $0xD0000000, s2;
	s6 =	simm.s32 $0x108;
	_ =	swait.ge @!p0 [sflag:s8], $0x0  }
0x24: {  	s3 =	sadd.s32 $0x88, s3;
	s6 =	simm.s32 @!p1 $0x1082;
	[sflag:s4] =	ssyncset.s32 $0xFFFFF086  }
0x25: {  	[simem:s6], [sflag:s4] =	dma.local [hbm:s3], $0xF7A  }
0x26: {  	[smem:$0x3F9F] =	sst s1;
	(tag) =	ssettag s2;
	_ =	strace s9  }
0x27: {  	s1 =	sld [smem:$0x3FAF]  }
0x28: {  	s2 =	sld [smem:$0x3FB0]  }
0x29: {  	s4 =	sld [smem:$0x3FB2]  }
0x2a: {  	p0 =	seq.s32 s5, $0x0;
	s5 =	sld [smem:$0x3FB3]  }
0x2b: {  	s6 =	sld [smem:$0x3FB4]  }
0x2c: {  	s7 =	sld [smem:$0x3FB5]  }
0x2d: {  	s3 =	simm.s32 $0x108;
	s8 =	sld [smem:$0x3FB6]  }
0x2e: {  	s3 =	simm.s32 @!p0 $0x1082;
	s9 =	sld [smem:$0x3FB7]  }
0x2f: {  	lr =	sadd.s32 s0, s3;
	s0 =	sld [smem:$0x3FAE]  }
0x30: {  	s3 =	sld [smem:$0x3FB1]  }
0x31: {  	[smem:$0x3FBA] =	sst s10  }
0x32: {  	s10 =	sld [smem:$0x3FB8];
	_ =	sdelay $0x3  }
0x33: {  	p0 =	seq.s32 s10, $0x1;
	s10 =	sld [smem:$0x3FBA];
	_ =	sdelay $0x3  }
0x34: {  	[smem:$0x3FBA] =	sst s10  }
0x35: {  	s10 =	sld [smem:$0x3FB9];
	_ =	sdelay $0x3  }
0x36: {  	p1 =	seq.s32 s10, $0x1;
	s10 =	sld [smem:$0x3FBA];
	_ =	sdelay $0x3  }
0x37: {  	[smem:$0x3FBA] =	sst s10  }
0x38: {  	s10 =	sld [smem:$0x3FBB]  }
0x39: {  	_ = 	snop;
	(pc) =	sbr.ind lr, $3  }
0x3a: {  	_ = 	snop  }
0x3b: {  	_ = 	snop  }
0x3c: {  	p2 =	seq.s32 s10, $0x1;
	s10 =	sld [smem:$0x3FBA]  }
0x3d: {  	_ =	shalt  }
0x3e: {  	_ =	shalt  }
0x3f: {  	_ =	shalt  }
0x40: {  	_ =	shalt  }
0x41: {  	_ =	shalt  }
0x42: {  	_ =	shalt  }
0x43: {  	_ =	shalt  }
0x44: {  	_ =	shalt  }
0x45: {  	_ =	shalt  }
0x46: {  	_ =	shalt  }
0x47: {  	_ =	shalt  }
0x48: {  	_ =	shalt  }
0x49: {  	_ =	shalt  }
0x4a: {  	_ =	shalt  }
0x4b: {  	_ =	shalt  }
0x4c: {  	_ =	shalt  }
0x4d: {  	_ =	shalt  }
0x4e: {  	_ =	shalt  }
0x4f: {  	_ =	shalt  }
0x50: {  	_ =	shalt  }
0x51: {  	_ =	shalt  }
0x52: {  	_ =	shalt  }
0x53: {  	_ =	shalt  }
0x54: {  	_ =	shalt  }
0x55: {  	_ =	shalt  }
0x56: {  	_ =	shalt  }
0x57: {  	_ =	shalt  }
0x58: {  	_ =	shalt  }
0x59: {  	_ =	shalt  }
0x5a: {  	_ =	shalt  }
0x5b: {  	_ =	shalt  }
0x5c: {  	_ =	shalt  }
0x5d: {  	_ =	shalt  }
0x5e: {  	_ =	shalt  }
0x5f: {  	_ =	shalt  }
0x60: {  	_ =	shalt  }
0x61: {  	_ =	shalt  }
0x62: {  	_ =	shalt  }
0x63: {  	_ =	shalt  }
0x64: {  	_ =	shalt  }
0x65: {  	_ =	shalt  }
0x66: {  	_ =	shalt  }
0x67: {  	_ =	shalt  }
0x68: {  	_ =	shalt  }
0x69: {  	_ =	shalt  }
0x6a: {  	_ =	shalt  }
0x6b: {  	_ =	shalt  }
0x6c: {  	_ =	shalt  }
0x6d: {  	_ =	shalt  }
0x6e: {  	_ =	shalt  }
0x6f: {  	_ =	shalt  }
0x70: {  	_ =	shalt  }
0x71: {  	_ =	shalt  }
0x72: {  	_ =	shalt  }
0x73: {  	_ =	shalt  }
0x74: {  	_ =	shalt  }
0x75: {  	_ =	shalt  }
0x76: {  	_ =	shalt  }
0x77: {  	_ =	shalt  }
0x78: {  	_ =	shalt  }
0x79: {  	_ =	shalt  }
0x7a: {  	_ =	shalt  }
0x7b: {  	_ =	shalt  }
0x7c: {  	_ =	shalt  }
0x7d: {  	_ =	shalt  }
0x7e: {  	_ =	shalt  }
0x7f: {  	_ =	shalt  }
0x80: {  	_ =	shalt  }
0x81: {  	_ =	shalt  }
0x82: {  	_ =	shalt  }
0x83: {  	_ =	shalt  }
0x84: {  	_ =	shalt  }
0x85: {  	_ =	shalt  }
0x86: {  	_ =	shalt  }
0x87: {  	_ =	shalt  }
.Lfunc_end0:
.L_simem_size_0:
called_computation.1_lowered:
.L_overlay_start_0:
0x88: {  	s2 =	sld [smem:$0x3FD9]  }
0x89: {  	s3 =	sld [smem:$0x3FFE];
	_ =	sdelay $0x1  }
0x8a: {  	s1 =	srdreg.scid  }
0x8b: {  	s0 =	sand.u32 $0x1, s1  }
0x8c: {  	s17 =	sshll.u32 s0, $0xA;
	s2 =	sadd.s32 s3, s2  }
0x8d: {  	s2 =	sadd.s32 s2, s17  }
0x8e: {  	[smem:$0x3FC6] =	sst s2  }
0x8f: {  	_ = 	snop  }
0x90: {  	s2 =	sld [smem:$0x3FD0];
	(tm) =	ssettm $0x1  }
0x91: {  	s18 =	sld [smem:$0x3FFB];
	_ =	sdelay $0x3  }
0x92: {  	_ =	strace s18  }
0x93: {  	s3 =	sld [smem:$0x3FFC];
	_ =	sdelay $0x3  }
0x94: {  	_ =	strace s3  }
0x95: {  	s3 =	sld [smem:$0x3FFD];
	_ =	sdelay $0x3  }
0x96: {  	_ =	strace s3  }
0x97: {  	_ =	strace $0x8FFFFFFF  }
0x98: {  	s19 =	sld [smem:$0x3FDB];
	_ =	sdelay $0x1  }
0x99: {  	s4 =	simm.s32 $_scs_section_size  }
0x9a: {  	s5 =	simm.s32 $_size__tile_overlayer_lowered;
	s6 =	simm.s32 $_tile_overlayer_lowered  }
0x9b: {  	s22 =	simm.s32 $0x1BFF;
	s21 =	sshll.u32 s6, $0x1;
	s3 =	sadd.s32 s4, s19  }
0x9c: {  	s7 =	simm.s32 $0x0;
	s20 =	sshll.u32 s5, $0x1;
	s5 =	sadd.s32 s21, s3  }
0x9d: {  	[timem:s7], [sflag:s22] =	dma.local [hbm:s5], s20  }
0x9e: {  	_ =	swait.ge [sflag:s22], s20  }
0x9f: {  	s4 =	ssub.s32 $0x0, s20;
	[sflag:s22] =	ssyncset.done $0x0  }
0xa0: {  	[sflag:s22] =	ssyncadd.s32 s4;
	_ =	sdelay $0x1  }
0xa1: {  	s23 =	simm.s32 $0x1B8B  }
0xa2: {  	_ =	swait.ge [sflag:s23], $0x1  }
0xa3: {  	[sflag:s23] =	ssyncset.done $0x0  }
0xa4: {  	s25 =	simm.s32 $0x1B8E;
	s24 =	sld [smem:$0x3FFE];
	[sflag:s23] =	ssyncadd.s32 $0xFFFFFFFF  }
0xa5: {  	s26 =	simm.s32 $execute0_lowered;
	[smem:$0x3FD2] =	sst s25  }
0xa6: {  	s5 =	sshll.u32 s26, $0x1;
	_ =	strace $0x80000046;
	[dreg:$0x1] =	wrdreg $0xFFFFFFFF  }
0xa7: {  	s28 =	simm.s32 $_size_execute0_lowered;
	s3 =	sadd.s32 s3, s5;
	[dreg:$0x0] =	wrdreg $0x0  }
0xa8: {  	s5 =	sshll.u32 s28, $0x1;
	[dreg:$0x2] =	wrdreg s3  }
0xa9: {  	[dreg:$0x3] =	wrdreg s5  }
0xaa: {  	[dreg:$0x4] =	wrdreg $0xC0  }
0xab: {  	_ =	task [dreg:s7], $0x5FFFF  }
0xac: {  	[dreg:$0x1] =	wrdreg $0xFFFFFFFF  }
0xad: {  	[dreg:$0x0] =	wrdreg $0x60  }
0xae: {  	[dreg:$0x2] =	wrdreg s24  }
0xaf: {  	[dreg:$0x3] =	wrdreg s2  }
0xb0: {  	[dreg:$0x4] =	wrdreg $0x9  }
0xb1: {  	_ =	task.clear_ibuf [dreg:s7], $0x5FFFF;
	_ =	strace $0x90000046  }
0xb2: {  	s29 =	simm.s32 $0x9;
	_ =	strace $0x80000048  }
0xb3: {  	_ =	swait.ge [sflag:s29], $0x1  }
0xb4: {  	[sflag:s29] =	ssyncadd.s32 $0xFFFFFFFF  }
0xb5: {  	_ =	strace $0x90000048  }
0xb6: {  	_ =	sfence  }
0xb7: {  	s30 =	sld [smem:$0x0];
	_ =	sdelay $0x2  }
0xb8: {  	s31 =	sshll.u32 s1, $0xD;
	s1 =	sshrl.u32 s1, $0x2  }
0xb9: {  	s3 =	sand.u32 $0x4000, s31;
	s1 =	sadd.s32 s1, s30  }
0xba: {  	s0 =	sor.u32 s3, s0;
	s1 =	sshll.u32 s1, $0x11  }
0xbb: {  	s0 =	sor.u32 s1, s0  }
0xbc: {  	s0 =	sadd.s32 $0x8F2B, s0  }
0xbd: {  	[sflag:s0] =	ssyncadd.remote.s32 $0x1  }
0xbe: {  	_ =	sfence.sel $0xFFFF  }
0xbf: {  	[dreg:$0x0] =	wrdreg $0xFFFFFFFF;
	(pc) =	sbr.abs _section_cstart, $3  }
0xc0: {  	[dreg:$0x1] =	wrdreg $0xFFFFFFFF  }
0xc1: {  	_ =	task.clear_ibuf [dreg:s7], $0x2FFFF;
	_ =	strace $0x9FFFFFFF  }
0xc2: {  	(tm) =	ssettm $0x7FFFFFFF  }
0xc3: {  	_ =	shalt  }
tec
execute0_lowered:
.L_overlay_start_1:
0x0: {  	(tag) =	ssettag $0x1  }
0x1: {  	s0 =	srdreg.scid  }
0x2: {  	s9 =	stileid.u32;
	s5 =	rddreg [dreg:$0x0]  }
0x3: {  	s2 =	rddreg [dreg:$0x1];
	s28 =	simm.s32 $0x9;
	s29 =	simm.s32 $0x2  }
0x4: {  	s30 =	simm.s32 $0xA;
	s31 =	simm.s32 $0x3;
	s7 =	smul.u32 $0x34000, s9  }
0x5: {  	s0 =	sand.u32 $0x1, s0;
	s1 =	sshll.u32 s9, $0x1;
	s9 =	smul.u32 $0xD0, s9  }
0x6: {  	s14 =	simm.s32 $0xC;
	s16 =	simm.s32 $0x5;
	s11 =	smul.u32 $0x68, s0  }
0x7: {  	s1 =	sor.u32 s0, s1;
	s8 =	ssub.s32 $0x2, s0;
	s0 =	smul.u32 $0x1A000, s0  }
0x8: {  	s18 =	simm.s32 $0xD;
	s20 =	simm.s32 $0x6;
	s3 =	smul.u32 $0x68, s1  }
0x9: {  	s22 =	simm.s32 $0xE;
	s1 =	smul.u32 $0x680, s1;
	s10 =	sshrl.u32 s8, $0x1  }
0xa: {  	s23 =	ssub.s32 s8, s10;
	s25 =	sadd.s32 s11, s9;
	s8 =	sadd.s32 s0, s7  }
0xb: {  	s11 =	simm.s32 $0x80;
	s0 =	simm.s32 $0x4;
	s7 =	simm.s32 $0x8  }
0xc: {  	s9 =	simm.s32 $0x10;
	s4 =	sshrl.u32 s3, $0x7;
	s3 =	simm.s32 $0x0  }
0xd: {  	s1 =	sadd.s32 s1, s5;
	s6 =	smul.u32 $0xC3500, s4;
	[smem:$0x7FF] =	sst s3  }
0xe: {  	s4 =	sadd.s32 $0x27ACE00, s5;
	s1 =	sadd.s32 $0xA00, s1;
	s5 =	smax.u32 s23, $0x1  }
.Ltmp0:
0xf: {  	_ =	strace $0x80000047;
	[dreg:$0x3] =	wrdreg s1;
	(pc) =	sbr.rel .LBB2_1-.Ltmp0, $4  }
0x10: {  	s10 =	simm.s32 $0x0;
	s26 =	sadd.s32 $0x8, s25;
	[dreg:$0x5] =	wrdreg s5  }
0x11: {  	s25 =	simm.s32 $0x11400;
	s23 =	simm.s32 $0xF400;
	[dreg:$0x6] =	wrdreg s26  }
0x12: {  	s26 =	simm.s32 $0x1;
	s1 =	simm.s32 $0xB;
	s24 =	sadd.s32 s4, s6  }
0x13: {  	s5 =	simm.s32 $0xF;
	[dreg:$0x4] =	wrdreg s24;
	s24 =	simm.s32 $0x7  }
.LBB2_4:
0x14: {  	s10 =	rddreg [dreg:$0x7]  }
0x15: {  	s6 =	rddreg [dreg:$0x5];
	s10 =	sadd.s32 $0x1, s10  }
0x16: {  	p0 =	sne.s32 s10, s6  }
.Ltmp1:
0x17: {  	_ = 	snop;
	(pc) =	sbr.rel @!p0 .LBB2_5-.Ltmp1, $1  }
0x18: {  	_ =	sdelay $0x3  }
.LBB2_1:
0x19: {  	[dreg:$0x7] =	wrdreg s10  }
0x1a: {  	s6 =	rddreg [dreg:$0x3];
	s12 =	simm.s32 $0x11  }
0x1b: {  	[tilespmem:s3], [sflag:$0x11] =	stream.linear.gather [hbm4b:s6+s3], $0x3400, $0x38;
	[tilespmem:$0x13400] =	vst v63  }
0x1c: {  	_ =	swait.ge [sflag:s12], $0x3400  }
0x1d: {  	[sflag:s12] =	ssyncset.done $0x0  }
0x1e: {  	s13 =	simm.s32 $0x3400;
	s6 =	rddreg [dreg:$0x4];
	[sflag:s12] =	ssyncadd.s32 $0xFFFFCC00  }
0x1f: {  	[tilespmem:s13], [sflag:$0x1] =	stream.indirect.gather [hbm4b:s6+s11], $0x40, s3, s11, $0xb8;
	[tilespmem:$0x13400] =	vst v63  }
0x20: {  	s15 =	simm.s32 $0x5400  }
0x21: {  	[tilespmem:s15], [sflag:$0x2] =	stream.indirect.gather [hbm4b:s6+s11], $0x40, s11, s11, $0xb8;
	[tilespmem:$0x13400] =	vst v63  }
0x22: {  	s17 =	simm.s32 $0x100;
	s12 =	simm.s32 $0x7400  }
0x23: {  	[tilespmem:s12], [sflag:$0x3] =	stream.indirect.gather [hbm4b:s6+s11], $0x40, s17, s11, $0xb8;
	[tilespmem:$0x13400] =	vst v63  }
0x24: {  	s19 =	simm.s32 $0x180;
	s21 =	simm.s32 $0x9400  }
0x25: {  	[tilespmem:s21], [sflag:$0x4] =	stream.indirect.gather [hbm4b:s6+s11], $0x40, s19, s11, $0xb8;
	[tilespmem:$0x13400] =	vst v63  }
0x26: {  	s13 =	simm.s32 $0xB400;
	s12 =	simm.s32 $0x200  }
0x27: {  	[tilespmem:s13], [sflag:$0x5] =	stream.indirect.gather [hbm4b:s6+s11], $0x40, s12, s11, $0xb8;
	[tilespmem:$0x13400] =	vst v63  }
0x28: {  	s15 =	simm.s32 $0x280;
	s17 =	simm.s32 $0xD400  }
0x29: {  	[tilespmem:s17], [sflag:$0x6] =	stream.indirect.gather [hbm4b:s6+s11], $0x40, s15, s11, $0xb8;
	[tilespmem:$0x13400] =	vst v63  }
0x2a: {  	s19 =	simm.s32 $0x300  }
0x2b: {  	[tilespmem:s23], [sflag:$0x7] =	stream.indirect.gather [hbm4b:s6+s11], $0x40, s19, s11, $0xb8;
	[tilespmem:$0x13400] =	vst v63  }
0x2c: {  	s21 =	simm.s32 $0x380  }
0x2d: {  	[tilespmem:s25], [sflag:$0x8] =	stream.indirect.gather [hbm4b:s6+s11], $0x40, s21, s11, $0xb8;
	[tilespmem:$0x13400] =	vst v63  }
0x2e: {  	s10 =	rddreg [dreg:$0x6];
	s12 =	simm.s32 $0x0;
	s6 =	simm.s32 $0x400  }
.LBB2_2:
0x2f: {  	s13 =	sadd.s32 s12, s8  }
0x30: {  	_ =	swait.ge [sflag:s26], $0x2000;
	s19 =	simm.s32 $0x3400;
	s15 =	sand.u32 $0x1FFE0000, s13  }
0x31: {  	[sflag:s26] =	ssyncset.done $0x0;
	s17 =	sand.u32 $0x1E000, s13;
	s15 =	sadd.s32 s2, s15  }
0x32: {  	p0 =	seq.s32 s12, $0x18000;
	[sflag:s26] =	ssyncadd.s32 $0xFFFFE000;
	s15 =	sadd.s32 s17, s15  }
0x33: {  	[hbm4b:s15+s3] =	stream.linear.scatter [tilespmem:s19], [sflag:$0x9], $0x2000, $0x38;
	[tilespmem:$0x13400] =	vst v63  }
0x34: {  	s15 =	sshrl.u32 @!p0 s10, $0x7  }
0x35: {  	_ =	swait.ge [sflag:s28], $0x2000;
	s15 =	smul.u32 @!p0 $0xC3500, s15  }
0x36: {  	s19 =	simm.s32 @!p0 $0x3400;
	[sflag:s28] =	ssyncset.done $0x0  }
0x37: {  	[sflag:s28] =	ssyncadd.s32 $0xFFFFE000;
	s17 =	sadd.s32 @!p0 s4, s15;
	s15 =	simm.s32 @!p0 $0x80  }
0x38: {  	[tilespmem:s19], [sflag:$0x1] =	stream.indirect.gather @!p0 [hbm4b:s17+s15], $0x40, s6, s15, $0xb8;
	[tilespmem:$0x13400] =	vst v63  }
0x39: {  	s17 =	sadd.s32 $0x400, s13  }
0x3a: {  	_ =	swait.ge [sflag:s29], $0x2000;
	s21 =	sand.u32 $0x1FFE0000, s17  }
0x3b: {  	s17 =	sand.u32 $0x1E400, s17;
	[sflag:s29] =	ssyncset.done $0x0;
	s19 =	sadd.s32 s2, s21  }
0x3c: {  	s21 =	simm.s32 $0x5400;
	[sflag:s29] =	ssyncadd.s32 $0xFFFFE000;
	s17 =	sadd.s32 s17, s19  }
0x3d: {  	[hbm4b:s17+s3] =	stream.linear.scatter [tilespmem:s21], [sflag:$0xA], $0x2000, $0x38;
	[tilespmem:$0x13400] =	vst v63  }
0x3e: {  	s17 =	sadd.s32 @!p0 $0x1, s10  }
0x3f: {  	s17 =	sshrl.u32 @!p0 s17, $0x7  }
0x40: {  	_ =	swait.ge [sflag:s30], $0x2000;
	s17 =	smul.u32 @!p0 $0xC3500, s17  }
0x41: {  	s19 =	sadd.s32 @!p0 $0x80, s6;
	[sflag:s30] =	ssyncset.done $0x0  }
0x42: {  	s21 =	simm.s32 @!p0 $0x5400;
	[sflag:s30] =	ssyncadd.s32 $0xFFFFE000;
	s17 =	sadd.s32 @!p0 s4, s17  }
0x43: {  	[tilespmem:s21], [sflag:$0x2] =	stream.indirect.gather @!p0 [hbm4b:s17+s15], $0x40, s19, s15, $0xb8;
	[tilespmem:$0x13400] =	vst v63  }
0x44: {  	s17 =	sadd.s32 $0x800, s13  }
0x45: {  	_ =	swait.ge [sflag:s31], $0x2000;
	s21 =	sand.u32 $0x1FFE0000, s17  }
0x46: {  	s17 =	sand.u32 $0x1E800, s17;
	[sflag:s31] =	ssyncset.done $0x0;
	s19 =	sadd.s32 s2, s21  }
0x47: {  	s21 =	simm.s32 $0x7400;
	[sflag:s31] =	ssyncadd.s32 $0xFFFFE000;
	s17 =	sadd.s32 s17, s19  }
0x48: {  	[hbm4b:s17+s3] =	stream.linear.scatter [tilespmem:s21], [sflag:$0xB], $0x2000, $0x38;
	[tilespmem:$0x13400] =	vst v63  }
0x49: {  	s17 =	sadd.s32 @!p0 $0x2, s10  }
0x4a: {  	s17 =	sshrl.u32 @!p0 s17, $0x7  }
0x4b: {  	_ =	swait.ge [sflag:s1], $0x2000;
	s17 =	smul.u32 @!p0 $0xC3500, s17  }
0x4c: {  	s19 =	sadd.s32 @!p0 $0x100, s6;
	[sflag:s1] =	ssyncset.done $0x0  }
0x4d: {  	s21 =	simm.s32 @!p0 $0x7400;
	[sflag:s1] =	ssyncadd.s32 $0xFFFFE000;
	s17 =	sadd.s32 @!p0 s4, s17  }
0x4e: {  	[tilespmem:s21], [sflag:$0x3] =	stream.indirect.gather @!p0 [hbm4b:s17+s15], $0x40, s19, s15, $0xb8;
	[tilespmem:$0x13400] =	vst v63  }
0x4f: {  	s17 =	sadd.s32 $0xC00, s13  }
0x50: {  	_ =	swait.ge [sflag:s0], $0x2000;
	s21 =	sand.u32 $0x1FFE0000, s17  }
0x51: {  	s17 =	sand.u32 $0x1EC00, s17;
	[sflag:s0] =	ssyncset.done $0x0;
	s19 =	sadd.s32 s2, s21  }
0x52: {  	s21 =	simm.s32 $0x9400;
	[sflag:s0] =	ssyncadd.s32 $0xFFFFE000;
	s17 =	sadd.s32 s17, s19  }
0x53: {  	[hbm4b:s17+s3] =	stream.linear.scatter [tilespmem:s21], [sflag:$0xC], $0x2000, $0x38;
	[tilespmem:$0x13400] =	vst v63  }
0x54: {  	s17 =	sadd.s32 @!p0 $0x3, s10  }
0x55: {  	s17 =	sshrl.u32 @!p0 s17, $0x7  }
0x56: {  	_ =	swait.ge [sflag:s14], $0x2000;
	s17 =	smul.u32 @!p0 $0xC3500, s17  }
0x57: {  	s19 =	sadd.s32 @!p0 $0x180, s6;
	[sflag:s14] =	ssyncset.done $0x0  }
0x58: {  	s21 =	simm.s32 @!p0 $0x9400;
	[sflag:s14] =	ssyncadd.s32 $0xFFFFE000;
	s17 =	sadd.s32 @!p0 s4, s17  }
0x59: {  	[tilespmem:s21], [sflag:$0x4] =	stream.indirect.gather @!p0 [hbm4b:s17+s15], $0x40, s19, s15, $0xb8;
	[tilespmem:$0x13400] =	vst v63  }
0x5a: {  	s17 =	sadd.s32 $0x1000, s13  }
0x5b: {  	_ =	swait.ge [sflag:s16], $0x2000;
	s21 =	sand.u32 $0x1FFE0000, s17  }
0x5c: {  	s17 =	sand.u32 $0x1F000, s17;
	[sflag:s16] =	ssyncset.done $0x0;
	s19 =	sadd.s32 s2, s21  }
0x5d: {  	s21 =	simm.s32 $0xB400;
	[sflag:s16] =	ssyncadd.s32 $0xFFFFE000;
	s17 =	sadd.s32 s17, s19  }
0x5e: {  	[hbm4b:s17+s3] =	stream.linear.scatter [tilespmem:s21], [sflag:$0xD], $0x2000, $0x38;
	[tilespmem:$0x13400] =	vst v63  }
0x5f: {  	s17 =	sadd.s32 @!p0 $0x4, s10  }
0x60: {  	s17 =	sshrl.u32 @!p0 s17, $0x7  }
0x61: {  	_ =	swait.ge [sflag:s18], $0x2000;
	s17 =	smul.u32 @!p0 $0xC3500, s17  }
0x62: {  	s19 =	sadd.s32 @!p0 $0x200, s6;
	[sflag:s18] =	ssyncset.done $0x0  }
0x63: {  	s21 =	simm.s32 @!p0 $0xB400;
	[sflag:s18] =	ssyncadd.s32 $0xFFFFE000;
	s17 =	sadd.s32 @!p0 s4, s17  }
0x64: {  	[tilespmem:s21], [sflag:$0x5] =	stream.indirect.gather @!p0 [hbm4b:s17+s15], $0x40, s19, s15, $0xb8;
	[tilespmem:$0x13400] =	vst v63  }
0x65: {  	s17 =	sadd.s32 $0x1400, s13  }
0x66: {  	_ =	swait.ge [sflag:s20], $0x2000;
	s21 =	sand.u32 $0x1FFE0000, s17  }
0x67: {  	s17 =	sand.u32 $0x1F400, s17;
	[sflag:s20] =	ssyncset.done $0x0;
	s19 =	sadd.s32 s2, s21  }
0x68: {  	s21 =	simm.s32 $0xD400;
	[sflag:s20] =	ssyncadd.s32 $0xFFFFE000;
	s17 =	sadd.s32 s17, s19  }
0x69: {  	[hbm4b:s17+s3] =	stream.linear.scatter [tilespmem:s21], [sflag:$0xE], $0x2000, $0x38;
	[tilespmem:$0x13400] =	vst v63  }
0x6a: {  	s17 =	sadd.s32 @!p0 $0x5, s10  }
0x6b: {  	s17 =	sshrl.u32 @!p0 s17, $0x7  }
0x6c: {  	_ =	swait.ge [sflag:s22], $0x2000;
	s17 =	smul.u32 @!p0 $0xC3500, s17  }
0x6d: {  	s19 =	sadd.s32 @!p0 $0x280, s6;
	[sflag:s22] =	ssyncset.done $0x0  }
0x6e: {  	s21 =	simm.s32 @!p0 $0xD400;
	[sflag:s22] =	ssyncadd.s32 $0xFFFFE000;
	s17 =	sadd.s32 @!p0 s4, s17  }
0x6f: {  	[tilespmem:s21], [sflag:$0x6] =	stream.indirect.gather @!p0 [hbm4b:s17+s15], $0x40, s19, s15, $0xb8;
	[tilespmem:$0x13400] =	vst v63  }
0x70: {  	s17 =	sadd.s32 $0x1800, s13  }
0x71: {  	_ =	swait.ge [sflag:s24], $0x2000;
	s21 =	sand.u32 $0x1FFE0000, s17  }
0x72: {  	s17 =	sand.u32 $0x1F800, s17;
	[sflag:s24] =	ssyncset.done $0x0;
	s19 =	sadd.s32 s2, s21  }
0x73: {  	[sflag:s24] =	ssyncadd.s32 $0xFFFFE000;
	s17 =	sadd.s32 s17, s19  }
0x74: {  	[hbm4b:s17+s3] =	stream.linear.scatter [tilespmem:s23], [sflag:$0xF], $0x2000, $0x38;
	[tilespmem:$0x13400] =	vst v63  }
0x75: {  	s17 =	sadd.s32 @!p0 $0x6, s10  }
0x76: {  	s17 =	sshrl.u32 @!p0 s17, $0x7  }
0x77: {  	_ =	swait.ge [sflag:s5], $0x2000;
	s17 =	smul.u32 @!p0 $0xC3500, s17  }
0x78: {  	s13 =	sadd.s32 $0x1C00, s13;
	s21 =	simm.s32 @!p0 $0xF400;
	[sflag:s5] =	ssyncset.done $0x0  }
0x79: {  	s19 =	sadd.s32 @!p0 $0x300, s6;
	[sflag:s5] =	ssyncadd.s32 $0xFFFFE000;
	s17 =	sadd.s32 @!p0 s4, s17  }
0x7a: {  	[tilespmem:s21], [sflag:$0x7] =	stream.indirect.gather @!p0 [hbm4b:s17+s15], $0x40, s19, s15, $0xb8;
	[tilespmem:$0x13400] =	vst v63  }
0x7b: {  	s21 =	sand.u32 $0x1FFE0000, s13;
	_ =	swait.ge [sflag:s7], $0x2000  }
0x7c: {  	s13 =	sand.u32 $0x1FC00, s13;
	s15 =	sadd.s32 s2, s21;
	[sflag:s7] =	ssyncset.done $0x0  }
.Ltmp2:
0x7d: {  	s13 =	sadd.s32 s13, s15;
	[sflag:s7] =	ssyncadd.s32 $0xFFFFE000;
	(pc) =	sbr.rel @p0 .LBB2_4-.Ltmp2, $4  }
0x7e: {  	[hbm4b:s13+s3] =	stream.linear.scatter [tilespmem:s25], [sflag:$0x10], $0x2000, $0x38;
	[tilespmem:$0x13400] =	vst v63  }
0x7f: {  	_ =	swait.ge [sflag:s9], $0x2000  }
0x80: {  	[sflag:s9] =	ssyncset.done $0x0  }
0x81: {  	[sflag:s9] =	ssyncadd.s32 $0xFFFFE000  }
0x82: {  	s13 =	sadd.s32 $0x7, s10  }
.Ltmp3:
0x83: {  	s13 =	sshrl.u32 s13, $0x7;
	(pc) =	sbr.rel .LBB2_2-.Ltmp3, $4  }
0x84: {  	s13 =	smul.u32 $0xC3500, s13  }
0x85: {  	s15 =	sadd.s32 $0x380, s6;
	s12 =	sadd.s32 $0x2000, s12  }
0x86: {  	s10 =	sadd.s32 $0x8, s10;
	s6 =	sadd.s32 $0x400, s6;
	s13 =	sadd.s32 s4, s13  }
0x87: {  	[tilespmem:s25], [sflag:$0x8] =	stream.indirect.gather [hbm4b:s13+s11], $0x40, s15, s11, $0xb8;
	[tilespmem:$0x13400] =	vst v63  }
.LBB2_5:
0x88: {  	_ =	sfence.sel $0x180000  }
0x89: {  	[bflag:$0x0] =	sbarrier.arrive $0xFFFF  }
0x8a: {  	_ =	strace $0x90000047  }
0x8b: {  	s0 =	stileid.u32;
	[bflag:$0x2] =	sbarrier.arrive $0xFFFF  }
0x8c: {  	p0 =	sne.s32 s0, $0x0;
	s0 =	rddreg [dreg:$0x2]  }
0x8d: {  	s0 =	sadd.s32 @!p0 $0x100000, s0  }
0x8e: {  	[sflag:s0] =	ssyncadd.tile.s32 @!p0 $0x1;
	_ =	shalt  }
.Lfunc_end2:
_tile_overlayer_lowered:
.L_overlay_start_2:
0x8f: {  	(tag) =	ssettag $0x2  }
0x90: {  	s0 =	rddreg [dreg:$0x0];
	s2 =	stileid.u32  }
0x91: {  	s1 =	rddreg [dreg:$0x1];
	p0 =	sne.s32 s2, $0x0  }
0x92: {  	s3 =	rddreg [dreg:$0x2];
	[bflag:$0x3] =	sbarrier.arrive $0xFFFF;
	s2 =	simm.s32 @!p0 $0x1C11  }
0x93: {  	[timem:s3], [sflag:s2] =	dma.local @!p0 [hbm:s0], s1  }
0x94: {  	s0 =	simm.s32 @!p0 $0x11  }
0x95: {  	_ =	swait.ge @!p0 [sflag:s0], s1  }
0x96: {  	s1 =	ssub.s32 @!p0 $0x0, s1;
	[sflag:s0] =	ssyncset.done @!p0 $0x0  }
0x97: {  	[sflag:s0] =	ssyncadd.s32 @!p0 s1  }
0x98: {  	[bflag:$0x3] =	sbarrier.arrive $0xFFFF  }
0x99: {  	_ =	shalt  }

// kernel: sparse-core-data-format-call.cloned.1.call-start
scs
called_computation_lowered:
.L_overlay_start_0:
0x0: {  	s2 =	sld [smem:$0x3FD9]  }
0x1: {  	s3 =	sld [smem:$0x3FFE];
	_ =	sdelay $0x1  }
0x2: {  	s1 =	srdreg.scid  }
0x3: {  	s0 =	sand.u32 $0x1, s1  }
0x4: {  	s18 =	sshll.u32 s0, $0xA;
	s2 =	sadd.s32 s3, s2  }
0x5: {  	s2 =	sadd.s32 s2, s18  }
0x6: {  	[smem:$0x3FC6] =	sst s2  }
0x7: {  	_ = 	snop  }
0x8: {  	s2 =	sld [smem:$0x3FD0];
	(tm) =	ssettm $0x1  }
0x9: {  	s19 =	sld [smem:$0x3FFB];
	_ =	sdelay $0x3  }
0xa: {  	_ =	strace s19  }
0xb: {  	s3 =	sld [smem:$0x3FFC];
	_ =	sdelay $0x3  }
0xc: {  	_ =	strace s3  }
0xd: {  	s3 =	sld [smem:$0x3FFD];
	_ =	sdelay $0x3  }
0xe: {  	_ =	strace s3  }
0xf: {  	_ =	strace $0x8FFFFFFF  }
0x10: {  	s20 =	sld [smem:$0x3FDB];
	_ =	sdelay $0x1  }
0x11: {  	s4 =	simm.s32 $_scs_section_size  }
0x12: {  	s5 =	simm.s32 $_size__tile_overlayer_lowered;
	s6 =	simm.s32 $_tile_overlayer_lowered  }
0x13: {  	s23 =	simm.s32 $0x1BFF;
	s22 =	sshll.u32 s6, $0x1;
	s3 =	sadd.s32 s4, s20  }
0x14: {  	s7 =	simm.s32 $0x0;
	s21 =	sshll.u32 s5, $0x1;
	s5 =	sadd.s32 s22, s3  }
0x15: {  	[timem:s7], [sflag:s23] =	dma.local [hbm:s5], s21  }
0x16: {  	_ =	swait.ge [sflag:s23], s21  }
0x17: {  	s4 =	ssub.s32 $0x0, s21;
	[sflag:s23] =	ssyncset.done $0x0  }
0x18: {  	[sflag:s23] =	ssyncadd.s32 s4;
	_ =	sdelay $0x1  }
0x19: {  	s24 =	simm.s32 $0x1B8B  }
0x1a: {  	_ =	swait.ge [sflag:s24], $0x1  }
0x1b: {  	[sflag:s24] =	ssyncset.done $0x0  }
0x1c: {  	s26 =	simm.s32 $0x1B8E;
	s25 =	sld [smem:$0x3FFE];
	[sflag:s24] =	ssyncadd.s32 $0xFFFFFFFF  }
0x1d: {  	s27 =	simm.s32 $execute0_lowered;
	[smem:$0x3FD2] =	sst s26  }
0x1e: {  	s5 =	sshll.u32 s27, $0x1;
	_ =	strace $0x80000049;
	[dreg:$0x1] =	wrdreg $0xFFFFFFFF  }
0x1f: {  	s28 =	simm.s32 $_size_execute0_lowered;
	s3 =	sadd.s32 s3, s5;
	[dreg:$0x0] =	wrdreg $0x0  }
0x20: {  	s5 =	sshll.u32 s28, $0x1;
	[dreg:$0x2] =	wrdreg s3  }
0x21: {  	[dreg:$0x3] =	wrdreg s5  }
0x22: {  	[dreg:$0x4] =	wrdreg $0xC0  }
0x23: {  	_ =	task [dreg:s7], $0x5FFFF  }
0x24: {  	[dreg:$0x1] =	wrdreg $0xFFFFFFFF  }
0x25: {  	[dreg:$0x0] =	wrdreg $0x60  }
0x26: {  	[dreg:$0x2] =	wrdreg s25  }
0x27: {  	[dreg:$0x3] =	wrdreg s2  }
0x28: {  	[dreg:$0x4] =	wrdreg $0x9  }
0x29: {  	_ =	task.clear_ibuf [dreg:s7], $0x5FFFF;
	_ =	strace $0x90000049  }
0x2a: {  	s29 =	simm.s32 $0x9;
	_ =	strace $0x8000004B  }
0x2b: {  	_ =	swait.ge [sflag:s29], $0x1  }
0x2c: {  	[sflag:s29] =	ssyncadd.s32 $0xFFFFFFFF  }
0x2d: {  	_ =	strace $0x9000004B  }
0x2e: {  	_ =	sfence  }
0x2f: {  	s30 =	sld [smem:$0x0];
	_ =	sdelay $0x2  }
0x30: {  	s31 =	sshll.u32 s1, $0xD;
	s1 =	sshrl.u32 s1, $0x2  }
0x31: {  	s3 =	sand.u32 $0x4000, s31;
	s1 =	sadd.s32 s1, s30  }
0x32: {  	s0 =	sor.u32 s3, s0;
	s1 =	sshll.u32 s1, $0x11  }
0x33: {  	s0 =	sor.u32 s1, s0  }
0x34: {  	s0 =	sadd.s32 $0x8F2B, s0  }
0x35: {  	[sflag:s0] =	ssyncadd.remote.s32 $0x1  }
0x36: {  	_ =	sfence.sel $0xFFFF  }
0x37: {  	[dreg:$0x0] =	wrdreg $0xFFFFFFFF;
	(pc) =	sbr.abs _section_cstart, $3  }
0x38: {  	[dreg:$0x1] =	wrdreg $0xFFFFFFFF  }
0x39: {  	_ =	task.clear_ibuf [dreg:s7], $0x2FFFF;
	_ =	strace $0x9FFFFFFF  }
0x3a: {  	(tm) =	ssettm $0x7FFFFFFF  }
0x3b: {  	_ =	shalt  }
tec
execute0_lowered:
.L_overlay_start_1:
0x0: {  	(tag) =	ssettag $0x1  }
0x1: {  	s0 =	srdreg.scid  }
0x2: {  	s1 =	sshll.u32 s0, $0x4  }
0x3: {  	s0 =	stileid.u32;
	s1 =	sand.u32 $0x10, s1  }
0x4: {  	s7 =	rddreg [dreg:$0x0];
	s1 =	sor.u32 s0, s1  }
0x5: {  	s4 =	simm.s32 $0x1;
	s8 =	simm.s32 $0x2;
	s2 =	sshll.u32 s1, $0x7  }
0x6: {  	s13 =	simm.s32 $0x0;
	s9 =	simm.s32 $0x20000;
	s1 =	ssub.s32 $0x4000, s2  }
0x7: {  	s14 =	simm.s32 $0x0;
	s11 =	simm.s32 $0x0;
	s3 =	sand.u32 $0xF80, s1  }
0x8: {  	s12 =	simm.s32 $0x0;
	s5 =	sshrl.u32 s1, $0xC;
	p0 =	sne.s32 s3, $0x0  }
.Ltmp0:
0x9: {  	s1 =	rddreg [dreg:$0x2];
	s4 =	simm.s32 @!p0 $0x0;
	(pc) =	sbr.rel .LBB1_1-.Ltmp0, $4  }
0xa: {  	s6 =	sadd.s32 $0xA00, s7;
	s3 =	rddreg [dreg:$0x1];
	s5 =	sadd.s32 s4, s5  }
0xb: {  	_ =	strace $0x8000004A;
	s4 =	simm.s32 $0x1;
	s5 =	smul.u32 $0xD, s5  }
0xc: {  	s7 =	sadd.s32 $0x40A00, s7;
	s10 =	smov.u32 s2;
	[sflag:s4] =	ssyncpa.u1 $0x0  }
0xd: {  	p0 =	por $0x0, $0x0;
	[sflag:s8] =	ssyncpa.u1 $0x0;
	s8 =	sadd.s32 $0x1, s5  }
.LBB1_7:
0xe: {  	s15 =	sadd.s32 $0x1000, s10  }
0xf: {  	s13 =	sadd.s32 $0x2, s11;
	s17 =	smov.u32 s11;
	p2 =	sgt.s32 s15, $0x3FFF  }
0x10: {  	s17 =	smov.u32 @p2 s13  }
0x11: {  	s15 =	smov.u32 @p2 s2;
	p2 =	sgt.s32 s17, $0x19  }
0x12: {  	s17 =	simm.s32 @p2 $0x0;
	p2 =	sne.s32 s12, s8  }
.Ltmp1:
0x13: {  	p1 =	slt.u32 s12, $0x2;
	(pc) =	sbr.rel @!p2 .LBB1_8-.Ltmp1, $4  }
0x14: {  	s16 =	simm.s32 @!p1 $0x2  }
0x15: {  	s14 =	smov.u32 s11;
	p0 =	por !p0, !p0;
	_ =	swait.ge @!p1 [sflag:s16], $0x4000  }
0x16: {  	s13 =	smov.u32 s10;
	[sflag:s16] =	ssyncset.done @!p1 $0x0;
	s10 =	smov.u32 s15  }
0x17: {  	s12 =	sadd.s32 $0x1, s12;
	[sflag:s16] =	ssyncadd.s32 @!p1 $0xFFFFC000;
	s11 =	smov.u32 s17  }
.LBB1_1:
0x18: {  	p1 =	sge.u32 s12, s5  }
0x19: {  	s15 =	sxor.u32 @!p1 $0xFFFFFFFF, s12;
	s16 =	sshll.u32 @!p1 s11, $0x12  }
0x1a: {  	s17 =	sshll.u32 @!p1 s10, $0x4;
	s19 =	simm.s32 @!p1 $0x40;
	s20 =	simm.s32 @!p1 $0x80  }
0x1b: {  	s15 =	sshll.u32 @!p1 s15, $0xE;
	s17 =	sand.u32 @!p1 $0x3FFF0, s17;
	s18 =	sadd.s32 @!p1 s6, s16  }
0x1c: {  	s16 =	sadd.s32 @!p1 s16, s7;
	s15 =	sand.u32 @!p1 $0x4000, s15;
	s18 =	sadd.s32 @!p1 s17, s18  }
0x1d: {  	[tilespmem:s15], [sflag:$0x1] =	stream.strided.gather @!p1 [hbm4b:s18+s19], $0x2000, s20, s19, $0x38;
	[tilespmem:$0x10100] =	vst v63  }
0x1e: {  	s31 =	sadd.s32 $0xFFFFFFFF, s12;
	s16 =	sadd.s32 @!p1 s17, s16;
	s15 =	sor.u32 @!p1 $0x2000, s15  }
0x1f: {  	[tilespmem:s15], [sflag:$0x1] =	stream.strided.gather @!p1 [hbm4b:s16+s19], $0x2000, s20, s19, $0x38;
	[tilespmem:$0x10100] =	vst v63  }
0x20: {  	p1 =	sge.u32 s31, s5  }
.Ltmp2:
0x21: {  	_ = 	snop;
	(pc) =	sbr.rel @p1 .LBB1_7-.Ltmp2, $1  }
0x22: {  	_ =	sdelay $0x3  }
0x23: {  	s15 =	simm.s32 $0x1;
	s17 =	sand.u32 $0x1, s12  }
0x24: {  	_ =	swait.ge [sflag:s4], $0x4000;
	s15 =	simm.s32 @!p0 $0x0;
	s17 =	smul.u32 $0x10200, s17  }
0x25: {  	p2 =	por $0x1, $0x1;
	[sflag:s4] =	ssyncset.done $0x0;
	s16 =	smul.u32 $0x10200, s15  }
0x26: {  	s18 =	sshll.u32 s15, $0x10;
	[sflag:s4] =	ssyncadd.s32 $0xFFFFC000;
	s30 =	sshrl.u32 s17, $0x2  }
0x27: {  	s31 =	sshrl.u32 s18, $0x2;
	s18 =	simm.s32 $0x0;
	s16 =	sshrl.u32 s16, $0x2  }
0x28: {  	s15 =	sor.u32 $0x8000, s30;
	s17 =	sadd.s32 $0x20, s31;
	s16 =	sor.u32 $0x8000, s16  }
.LBB1_3:
0x29: {  	s19 =	sshll.u32 s18, $0xD  }
0x2a: {  	s19 =	sand.u32 $0x3FFFE000, s19  }
0x2b: {  	s21 =	sadd.s32 s19, s17  }
0x2c: {  	s31 =	smul.u32 $0x8100, s18;
	v3 =	vld [tilespmem:s21+$0x10]  }
0x2d: {  	v1 =	vld [tilespmem:s21+$0xFFFFFFF0]  }
0x2e: {  	s18 =	sshra.s32 s31, $0x2;
	v0 =	vld [tilespmem:s21+$0x0]  }
0x2f: {  	s18 =	sadd.s32 s18, s16;
	v2 =	vld [tilespmem:s21+$0xFFFFFFE0]  }
0x30: {  	s19 =	sadd.s32 $0x0, s18  }
0x31: {  	p1 =	por p2, p2;
	s20 =	simm.s32 $0x4;
	s21 =	sadd.s32 $0x40, s21;
	[tilespmem:s19+$0x1830 ss:$0x81] =	vst.msk $0xffff, v3  }
.LBB1_4:
0x32: {  	v3 =	vld [tilespmem:s21+$0x10];
	p2 =	sne.s32 s20, $0x1FC;
	[tilespmem:s19+$0x810 ss:$0x81] =	vst.msk $0xffff, v1;
	s22 =	smov.u32 s20;
	s20 =	sadd.s32 $0x4, s20  }
.Ltmp3:
0x33: {  	v1 =	vld [tilespmem:s21+$0xFFFFFFF0];
	[tilespmem:s19+$0x1020 ss:$0x81] =	vst.msk $0xffff, v0;
	(pc) =	sbr.rel @p2 .LBB1_4-.Ltmp3, $4  }
0x34: {  	v0 =	vld [tilespmem:s21+$0x0];
	[tilespmem:s19+$0x0 ss:$0x81] =	vst.msk $0xffff, v2  }
0x35: {  	s19 =	sshra.s32 s22, $0x2;
	v2 =	vld [tilespmem:s21+$0xFFFFFFE0]  }
0x36: {  	s19 =	sadd.s32 s19, s18  }
0x37: {  	s21 =	sadd.s32 $0x40, s21;
	[tilespmem:s19+$0x1830 ss:$0x81] =	vst.msk $0xffff, v3  }
.Ltmp4:
0x38: {  	(pc) =	sbr.rel @p1 .LBB1_3-.Ltmp4, $4  }
0x39: {  	_ = 	snop  }
0x3a: {  	[tilespmem:s19+$0x810 ss:$0x81] =	vst.msk $0xffff, v1  }
0x3b: {  	[tilespmem:s19+$0x1020 ss:$0x81] =	vst.msk $0xffff, v0  }
0x3c: {  	s18 =	simm.s32 $0x1;
	p2 =	por $0x0, $0x0;
	[tilespmem:s19+$0x0 ss:$0x81] =	vst.msk $0xffff, v2  }
0x3d: {  	s16 =	sshll.u32 s13, $0x3;
	s17 =	sand.u32 $0x78, s13;
	s14 =	sshll.u32 s14, $0x11  }
.Ltmp5:
0x3e: {  	s30 =	sand.u32 $0x1F800, s13;
	s16 =	sand.u32 $0x3C00, s16;
	(pc) =	sbr.rel .LBB1_7-.Ltmp5, $4  }
0x3f: {  	s31 =	sand.u32 $0x7, s13;
	s14 =	sadd.s32 s3, s14;
	s16 =	sor.u32 s17, s16  }
0x40: {  	s13 =	sshll.u32 s31, $0x12;
	s14 =	sadd.s32 s30, s14;
	s16 =	sshrl.u32 s16, $0x3  }
0x41: {  	s13 =	sor.u32 $0x400, s13;
	s14 =	sadd.s32 s16, s14  }
0x42: {  	[hbm4b:s14+s13] =	stream.strided.scatter [tilespmem:s15], [sflag:$0x2], $0x4000, s9, s13, $0x20;
	[tilespmem:$0x10100] =	vst v63  }
.LBB1_8:
0x43: {  	_ =	sfence.sel $0x180000  }
0x44: {  	s2 =	simm.s32 $0x1;
	[bflag:$0x0] =	sbarrier.arrive $0xFFFF  }
0x45: {  	s31 =	simm.s32 $0x2;
	[sflag:s2] =	ssyncpa.u1 $0x1  }
0x46: {  	[sflag:s31] =	ssyncpa.u1 $0x1  }
0x47: {  	p0 =	sne.s32 s0, $0x0;
	_ =	strace $0x9000004A  }
0x48: {  	s0 =	sadd.s32 @!p0 $0x100000, s1;
	[bflag:$0x2] =	sbarrier.arrive $0xFFFF  }
0x49: {  	[sflag:s0] =	ssyncadd.tile.s32 @!p0 $0x1;
	_ =	shalt  }
.Lfunc_end1:
_tile_overlayer_lowered:
.L_overlay_start_2:
0x4a: {  	(tag) =	ssettag $0x2  }
0x4b: {  	s0 =	rddreg [dreg:$0x0];
	s2 =	stileid.u32  }
0x4c: {  	s1 =	rddreg [dreg:$0x1];
	p0 =	sne.s32 s2, $0x0  }
0x4d: {  	s3 =	rddreg [dreg:$0x2];
	[bflag:$0x3] =	sbarrier.arrive $0xFFFF;
	s2 =	simm.s32 @!p0 $0x1C01  }
0x4e: {  	[timem:s3], [sflag:s2] =	dma.local @!p0 [hbm:s0], s1  }
0x4f: {  	s0 =	simm.s32 @!p0 $0x1  }
0x50: {  	_ =	swait.ge @!p0 [sflag:s0], s1  }
0x51: {  	s1 =	ssub.s32 @!p0 $0x0, s1;
	[sflag:s0] =	ssyncset.done @!p0 $0x0  }
0x52: {  	[sflag:s0] =	ssyncadd.s32 @!p0 s1  }
0x53: {  	[bflag:$0x3] =	sbarrier.arrive $0xFFFF  }
0x54: {  	_ =	shalt  }

</sc_bundles>
